<compile_context>
chip_gen: v7x
topology: tpu7x:2x2x1
jax: 0.10.2.dev20260603
libtpu: 0.0.44.dev20260713+nightly
codegen_flags: <defaults>
</compile_context>

<pallas_src>
import functools

import jax
import jax.numpy as jnp
from jax import lax
from jax.experimental import pallas as pl
from jax.experimental.pallas import tpu as pltpu
from jax.experimental.pallas import tpu_sc as plsc

B, P, C = 4096, 50, 256
NC, NS = 2, 16
NW = NC * NS
BPW = B // NW
NBC = 32
KPB = BPW // NBC
NCHK = P * KPB
NBUF = 2

_mesh = plsc.VectorSubcoreMesh(core_axis_name="c", subcore_axis_name="s")


@functools.partial(
    pl.kernel,
    out_type=jax.ShapeDtypeStruct((P, B, C), jnp.float32),
    mesh=_mesh,
    compiler_params=pltpu.CompilerParams(needs_layout_passes=False),
    scratch_types=[
        pltpu.VMEM((P, BPW), jnp.int32),
        pltpu.VMEM((NBC, C), jnp.float32),
        pltpu.VMEM((NBC, C), jnp.float32),
        pltpu.SemaphoreType.DMA,
        pltpu.SemaphoreType.DMA,
    ],
)
def _one_hot_sc(xt_hbm, out_hbm, idx_v, buf0, buf1, sem0, sem1):
    cid = lax.axis_index("c")
    sid = lax.axis_index("s")
    wid = sid * NC + cid
    b0 = wid * BPW

    pltpu.sync_copy(xt_hbm.at[:, pl.ds(b0, BPW)], idx_v)

    zeros16 = jnp.zeros((16,), jnp.float32)
    ones16 = jnp.ones((16,), jnp.float32)
    iota16 = lax.iota(jnp.int32, 16)
    bufs = (buf0, buf1)
    sems = (sem0, sem1)

    def _zero(i, carry):
        for b in range(NBUF):
            for k in range(C // 16):
                bufs[b][i, pl.ds(k * 16, 16)] = zeros16
        return carry

    lax.fori_loop(0, NBC, _zero, 0)

    def _ch(c):
        return lax.rem(c + wid * 24, NCHK)

    def _scatter(buf, c, val):
        p = c // KPB
        k = c % KPB
        for j in range(NBC // 16):
            row16 = j * 16 + iota16
            idx16 = idx_v[p, pl.ds(k * NBC + j * 16, 16)]
            plsc.store_scatter(buf, [row16, idx16], val)

    def _dst(c):
        p = c // KPB
        k = c % KPB
        return out_hbm.at[p, pl.ds(b0 + k * NBC, NBC), :]

    for b in range(NBUF):
        _scatter(bufs[b], _ch(b), ones16)
        pltpu.async_copy(bufs[b], _dst(_ch(b)), sems[b])

    def _grp(g, carry):
        for b in range(NBUF):
            c = g * NBUF + b
            pltpu.make_async_copy(bufs[b], _dst(_ch(c - NBUF)), sems[b]).wait()
            _scatter(bufs[b], _ch(c - NBUF), zeros16)
            _scatter(bufs[b], _ch(c), ones16)
            pltpu.async_copy(bufs[b], _dst(_ch(c)), sems[b])
        return carry

    lax.fori_loop(1, NCHK // NBUF, _grp, 0)

    for b in range(NBUF):
        pltpu.make_async_copy(bufs[b], _dst(_ch(NCHK - NBUF + b)), sems[b]).wait()


def kernel(x):
    out_t = _one_hot_sc(x.T)
    return out_t.transpose(1, 0, 2)

# --- scband reference (transcript-rebuilt; emitter-appended) ---
"""Pipeline reference for scband-to-one-hot-13228499271817 (READ-ONLY COPY).

The authoritative reference and input builder live on the scoring server;
editing this copy changes nothing except your own understanding.
"""

import jax, jax.numpy as jnp
import numpy as np


def setup_inputs(seed: int = 0) -> dict:
    key = jax.random.key(seed)
    x = jax.random.randint(key, (4096, 50), 0, 256, dtype=jnp.int64 if jax.config.jax_enable_x64 else jnp.int32)
    return {"x": x}


def reference(x) -> jnp.ndarray:
    # Faithful translation of nn.functional.one_hot(x, num_classes=256).to(torch.float)
    return jax.nn.one_hot(x, num_classes=256, dtype=jnp.float32)

if __name__ == "__main__":
    import jax
    _d = setup_inputs()
    print(jax.jit(kernel)(*tuple(_d.values())))

</pallas_src>

<mosaic_0001>
#map = affine_map<(d0, d1) -> (0, 0)>
#map1 = affine_map<(d0, d1) -> (0, 0, 0)>
module attributes {stable_mosaic.version = 14 : i64} {
  func.func @_one_hot_sc(%arg0: i32, %arg1: i32, %arg2: memref<50x4096xi32, #tpu.memory_space<hbm>>, %arg3: memref<50x4096x256xf32, #tpu.memory_space<hbm>>, %arg4: memref<50x128xi32, #tpu.memory_space<vmem>>, %arg5: memref<32x256xf32, #tpu.memory_space<vmem>>, %arg6: memref<32x256xf32, #tpu.memory_space<vmem>>, %arg7: memref<!tpu.dma_semaphore, #tpu.memory_space<semaphore_mem>>, %arg8: memref<!tpu.dma_semaphore, #tpu.memory_space<semaphore_mem>>) attributes {dimension_semantics = [#tpu.dimension_semantics<core_parallel>, #tpu.dimension_semantics<subcore_parallel>], iteration_bounds = array<i64: 2, 16>, scalar_prefetch = 0 : i64, scratch_operands = 5 : i64, tpu.core_type = #tpu.core_type<sc_vector_subcore>, window_params = [{transform_indices = #map}, {transform_indices = #map1}]} {
    %mul3A = arith.constant 2 : i32
    %mul3A_0 = arith.muli %arg1, %mul3A : i32
    %add3A = arith.addi %mul3A_0, %arg0 : i32
    %mul3A_1 = arith.constant 128 : i32
    %mul3A_2 = arith.muli %add3A, %mul3A_1 : i32
    "tpu.region"() ({
      %run_scoped3A = tpu.sem_alloc : memref<!tpu.dma_semaphore, #tpu.memory_space<semaphore_mem>>
      %dma_start3A_356 = arith.constant 0 : i32
      %dma_start3A_357 = tpu.memref_slice %arg2[%dma_start3A_356, %mul3A_2] : memref<50x4096xi32, #tpu.memory_space<hbm>> -> memref<50x128xi32, #tpu.memory_space<hbm>>
      %dma_start3A_358 = arith.constant 0 : i32
      %dma_start3A_359 = tpu.memref_slice %arg2[%dma_start3A_358, %mul3A_2] : memref<50x4096xi32, #tpu.memory_space<hbm>> -> memref<50x128xi32, #tpu.memory_space<hbm>>
      tpu.enqueue_dma source(%dma_start3A_359 : memref<50x128xi32, #tpu.memory_space<hbm>>) target(%arg4 : memref<50x128xi32, #tpu.memory_space<vmem>>) target_semaphore(%run_scoped3A : memref<!tpu.dma_semaphore, #tpu.memory_space<semaphore_mem>>)
      %dma_wait3A_360 = arith.constant 0 : i32
      %dma_wait3A_361 = tpu.memref_slice %arg2[%dma_wait3A_360, %mul3A_2] : memref<50x4096xi32, #tpu.memory_space<hbm>> -> memref<50x128xi32, #tpu.memory_space<hbm>>
      %dma_wait3A_362 = arith.constant 0 : i32
      %dma_wait3A_363 = tpu.memref_slice %arg2[%dma_wait3A_362, %mul3A_2] : memref<50x4096xi32, #tpu.memory_space<hbm>> -> memref<50x128xi32, #tpu.memory_space<hbm>>
      tpu.wait_dma2 semaphore(%run_scoped3A : memref<!tpu.dma_semaphore, #tpu.memory_space<semaphore_mem>>) src(%dma_wait3A_363 : memref<50x128xi32, #tpu.memory_space<hbm>>) dst(%arg4 : memref<50x128xi32, #tpu.memory_space<vmem>>)
      tpu.yield
    }) : () -> ()
    %broadcast_in_dim3A = arith.constant 0.000000e+00 : f32
    %broadcast_in_dim3A_3 = vector.broadcast %broadcast_in_dim3A : f32 to vector<16xf32>
    %broadcast_in_dim3A_4 = arith.constant 1.000000e+00 : f32
    %broadcast_in_dim3A_5 = vector.broadcast %broadcast_in_dim3A_4 : f32 to vector<16xf32>
    %iota3A = tpu.iota {dimensions = array<i32: 0>} : vector<16xi32>
    %scan3A = arith.constant 0 : i32
    %scan3A_6 = arith.constant 0 : i32
    %scan3A_7 = arith.constant 32 : i32
    %scan3A_8 = arith.addi %scan3A_6, %scan3A_7 : i32
    %scan3A_9 = arith.constant 1 : i32
    scf.for %scan3A_356 = %scan3A_6 to %scan3A_8 step %scan3A_9  : i32 {
      %swap3A = arith.index_cast %scan3A_356 : i32 to index
      %swap3A_357 = arith.constant 0 : index
      %swap3A_358 = tpu.vector_load %arg5[%swap3A, %swap3A_357] {strides = array<i32>} : memref<32x256xf32, #tpu.memory_space<vmem>>, vector<16xf32>,
      tpu.vector_store %arg5[%swap3A, %swap3A_357], %broadcast_in_dim3A_3 {strides = array<i32>} : memref<32x256xf32, #tpu.memory_space<vmem>>, vector<16xf32>,
      %swap3A_359 = arith.index_cast %scan3A_356 : i32 to index
      %swap3A_360 = arith.constant 16 : index
      %swap3A_361 = tpu.vector_load %arg5[%swap3A_359, %swap3A_360] {strides = array<i32>} : memref<32x256xf32, #tpu.memory_space<vmem>>, vector<16xf32>,
      tpu.vector_store %arg5[%swap3A_359, %swap3A_360], %broadcast_in_dim3A_3 {strides = array<i32>} : memref<32x256xf32, #tpu.memory_space<vmem>>, vector<16xf32>,
      %swap3A_362 = arith.index_cast %scan3A_356 : i32 to index
      %swap3A_363 = arith.constant 32 : index
      %swap3A_364 = tpu.vector_load %arg5[%swap3A_362, %swap3A_363] {strides = array<i32>} : memref<32x256xf32, #tpu.memory_space<vmem>>, vector<16xf32>,
      tpu.vector_store %arg5[%swap3A_362, %swap3A_363], %broadcast_in_dim3A_3 {strides = array<i32>} : memref<32x256xf32, #tpu.memory_space<vmem>>, vector<16xf32>,
      %swap3A_365 = arith.index_cast %scan3A_356 : i32 to index
      %swap3A_366 = arith.constant 48 : index
      %swap3A_367 = tpu.vector_load %arg5[%swap3A_365, %swap3A_366] {strides = array<i32>} : memref<32x256xf32, #tpu.memory_space<vmem>>, vector<16xf32>,
      tpu.vector_store %arg5[%swap3A_365, %swap3A_366], %broadcast_in_dim3A_3 {strides = array<i32>} : memref<32x256xf32, #tpu.memory_space<vmem>>, vector<16xf32>,
      %swap3A_368 = arith.index_cast %scan3A_356 : i32 to index
      %swap3A_369 = arith.constant 64 : index
      %swap3A_370 = tpu.vector_load %arg5[%swap3A_368, %swap3A_369] {strides = array<i32>} : memref<32x256xf32, #tpu.memory_space<vmem>>, vector<16xf32>,
      tpu.vector_store %arg5[%swap3A_368, %swap3A_369], %broadcast_in_dim3A_3 {strides = array<i32>} : memref<32x256xf32, #tpu.memory_space<vmem>>, vector<16xf32>,
      %swap3A_371 = arith.index_cast %scan3A_356 : i32 to index
      %swap3A_372 = arith.constant 80 : index
      %swap3A_373 = tpu.vector_load %arg5[%swap3A_371, %swap3A_372] {strides = array<i32>} : memref<32x256xf32, #tpu.memory_space<vmem>>, vector<16xf32>,
      tpu.vector_store %arg5[%swap3A_371, %swap3A_372], %broadcast_in_dim3A_3 {strides = array<i32>} : memref<32x256xf32, #tpu.memory_space<vmem>>, vector<16xf32>,
      %swap3A_374 = arith.index_cast %scan3A_356 : i32 to index
      %swap3A_375 = arith.constant 96 : index
      %swap3A_376 = tpu.vector_load %arg5[%swap3A_374, %swap3A_375] {strides = array<i32>} : memref<32x256xf32, #tpu.memory_space<vmem>>, vector<16xf32>,
      tpu.vector_store %arg5[%swap3A_374, %swap3A_375], %broadcast_in_dim3A_3 {strides = array<i32>} : memref<32x256xf32, #tpu.memory_space<vmem>>, vector<16xf32>,
      %swap3A_377 = arith.index_cast %scan3A_356 : i32 to index
      %swap3A_378 = arith.constant 112 : index
      %swap3A_379 = tpu.vector_load %arg5[%swap3A_377, %swap3A_378] {strides = array<i32>} : memref<32x256xf32, #tpu.memory_space<vmem>>, vector<16xf32>,
      tpu.vector_store %arg5[%swap3A_377, %swap3A_378], %broadcast_in_dim3A_3 {strides = array<i32>} : memref<32x256xf32, #tpu.memory_space<vmem>>, vector<16xf32>,
      %swap3A_380 = arith.index_cast %scan3A_356 : i32 to index
      %swap3A_381 = arith.constant 128 : index
      %swap3A_382 = tpu.vector_load %arg5[%swap3A_380, %swap3A_381] {strides = array<i32>} : memref<32x256xf32, #tpu.memory_space<vmem>>, vector<16xf32>,
      tpu.vector_store %arg5[%swap3A_380, %swap3A_381], %broadcast_in_dim3A_3 {strides = array<i32>} : memref<32x256xf32, #tpu.memory_space<vmem>>, vector<16xf32>,
      %swap3A_383 = arith.index_cast %scan3A_356 : i32 to index
      %swap3A_384 = arith.constant 144 : index
      %swap3A_385 = tpu.vector_load %arg5[%swap3A_383, %swap3A_384] {strides = array<i32>} : memref<32x256xf32, #tpu.memory_space<vmem>>, vector<16xf32>,
      tpu.vector_store %arg5[%swap3A_383, %swap3A_384], %broadcast_in_dim3A_3 {strides = array<i32>} : memref<32x256xf32, #tpu.memory_space<vmem>>, vector<16xf32>,
      %swap3A_386 = arith.index_cast %scan3A_356 : i32 to index
      %swap3A_387 = arith.constant 160 : index
      %swap3A_388 = tpu.vector_load %arg5[%swap3A_386, %swap3A_387] {strides = array<i32>} : memref<32x256xf32, #tpu.memory_space<vmem>>, vector<16xf32>,
      tpu.vector_store %arg5[%swap3A_386, %swap3A_387], %broadcast_in_dim3A_3 {strides = array<i32>} : memref<32x256xf32, #tpu.memory_space<vmem>>, vector<16xf32>,
      %swap3A_389 = arith.index_cast %scan3A_356 : i32 to index
      %swap3A_390 = arith.constant 176 : index
      %swap3A_391 = tpu.vector_load %arg5[%swap3A_389, %swap3A_390] {strides = array<i32>} : memref<32x256xf32, #tpu.memory_space<vmem>>, vector<16xf32>,
      tpu.vector_store %arg5[%swap3A_389, %swap3A_390], %broadcast_in_dim3A_3 {strides = array<i32>} : memref<32x256xf32, #tpu.memory_space<vmem>>, vector<16xf32>,
      %swap3A_392 = arith.index_cast %scan3A_356 : i32 to index
      %swap3A_393 = arith.constant 192 : index
      %swap3A_394 = tpu.vector_load %arg5[%swap3A_392, %swap3A_393] {strides = array<i32>} : memref<32x256xf32, #tpu.memory_space<vmem>>, vector<16xf32>,
      tpu.vector_store %arg5[%swap3A_392, %swap3A_393], %broadcast_in_dim3A_3 {strides = array<i32>} : memref<32x256xf32, #tpu.memory_space<vmem>>, vector<16xf32>,
      %swap3A_395 = arith.index_cast %scan3A_356 : i32 to index
      %swap3A_396 = arith.constant 208 : index
      %swap3A_397 = tpu.vector_load %arg5[%swap3A_395, %swap3A_396] {strides = array<i32>} : memref<32x256xf32, #tpu.memory_space<vmem>>, vector<16xf32>,
      tpu.vector_store %arg5[%swap3A_395, %swap3A_396], %broadcast_in_dim3A_3 {strides = array<i32>} : memref<32x256xf32, #tpu.memory_space<vmem>>, vector<16xf32>,
      %swap3A_398 = arith.index_cast %scan3A_356 : i32 to index
      %swap3A_399 = arith.constant 224 : index
      %swap3A_400 = tpu.vector_load %arg5[%swap3A_398, %swap3A_399] {strides = array<i32>} : memref<32x256xf32, #tpu.memory_space<vmem>>, vector<16xf32>,
      tpu.vector_store %arg5[%swap3A_398, %swap3A_399], %broadcast_in_dim3A_3 {strides = array<i32>} : memref<32x256xf32, #tpu.memory_space<vmem>>, vector<16xf32>,
      %swap3A_401 = arith.index_cast %scan3A_356 : i32 to index
      %swap3A_402 = arith.constant 240 : index
      %swap3A_403 = tpu.vector_load %arg5[%swap3A_401, %swap3A_402] {strides = array<i32>} : memref<32x256xf32, #tpu.memory_space<vmem>>, vector<16xf32>,
      tpu.vector_store %arg5[%swap3A_401, %swap3A_402], %broadcast_in_dim3A_3 {strides = array<i32>} : memref<32x256xf32, #tpu.memory_space<vmem>>, vector<16xf32>,
      %swap3A_404 = arith.index_cast %scan3A_356 : i32 to index
      %swap3A_405 = arith.constant 0 : index
      %swap3A_406 = tpu.vector_load %arg6[%swap3A_404, %swap3A_405] {strides = array<i32>} : memref<32x256xf32, #tpu.memory_space<vmem>>, vector<16xf32>,
      tpu.vector_store %arg6[%swap3A_404, %swap3A_405], %broadcast_in_dim3A_3 {strides = array<i32>} : memref<32x256xf32, #tpu.memory_space<vmem>>, vector<16xf32>,
      %swap3A_407 = arith.index_cast %scan3A_356 : i32 to index
      %swap3A_408 = arith.constant 16 : index
      %swap3A_409 = tpu.vector_load %arg6[%swap3A_407, %swap3A_408] {strides = array<i32>} : memref<32x256xf32, #tpu.memory_space<vmem>>, vector<16xf32>,
      tpu.vector_store %arg6[%swap3A_407, %swap3A_408], %broadcast_in_dim3A_3 {strides = array<i32>} : memref<32x256xf32, #tpu.memory_space<vmem>>, vector<16xf32>,
      %swap3A_410 = arith.index_cast %scan3A_356 : i32 to index
      %swap3A_411 = arith.constant 32 : index
      %swap3A_412 = tpu.vector_load %arg6[%swap3A_410, %swap3A_411] {strides = array<i32>} : memref<32x256xf32, #tpu.memory_space<vmem>>, vector<16xf32>,
      tpu.vector_store %arg6[%swap3A_410, %swap3A_411], %broadcast_in_dim3A_3 {strides = array<i32>} : memref<32x256xf32, #tpu.memory_space<vmem>>, vector<16xf32>,
      %swap3A_413 = arith.index_cast %scan3A_356 : i32 to index
      %swap3A_414 = arith.constant 48 : index
      %swap3A_415 = tpu.vector_load %arg6[%swap3A_413, %swap3A_414] {strides = array<i32>} : memref<32x256xf32, #tpu.memory_space<vmem>>, vector<16xf32>,
      tpu.vector_store %arg6[%swap3A_413, %swap3A_414], %broadcast_in_dim3A_3 {strides = array<i32>} : memref<32x256xf32, #tpu.memory_space<vmem>>, vector<16xf32>,
      %swap3A_416 = arith.index_cast %scan3A_356 : i32 to index
      %swap3A_417 = arith.constant 64 : index
      %swap3A_418 = tpu.vector_load %arg6[%swap3A_416, %swap3A_417] {strides = array<i32>} : memref<32x256xf32, #tpu.memory_space<vmem>>, vector<16xf32>,
      tpu.vector_store %arg6[%swap3A_416, %swap3A_417], %broadcast_in_dim3A_3 {strides = array<i32>} : memref<32x256xf32, #tpu.memory_space<vmem>>, vector<16xf32>,
      %swap3A_419 = arith.index_cast %scan3A_356 : i32 to index
      %swap3A_420 = arith.constant 80 : index
      %swap3A_421 = tpu.vector_load %arg6[%swap3A_419, %swap3A_420] {strides = array<i32>} : memref<32x256xf32, #tpu.memory_space<vmem>>, vector<16xf32>,
      tpu.vector_store %arg6[%swap3A_419, %swap3A_420], %broadcast_in_dim3A_3 {strides = array<i32>} : memref<32x256xf32, #tpu.memory_space<vmem>>, vector<16xf32>,
      %swap3A_422 = arith.index_cast %scan3A_356 : i32 to index
      %swap3A_423 = arith.constant 96 : index
      %swap3A_424 = tpu.vector_load %arg6[%swap3A_422, %swap3A_423] {strides = array<i32>} : memref<32x256xf32, #tpu.memory_space<vmem>>, vector<16xf32>,
      tpu.vector_store %arg6[%swap3A_422, %swap3A_423], %broadcast_in_dim3A_3 {strides = array<i32>} : memref<32x256xf32, #tpu.memory_space<vmem>>, vector<16xf32>,
      %swap3A_425 = arith.index_cast %scan3A_356 : i32 to index
      %swap3A_426 = arith.constant 112 : index
      %swap3A_427 = tpu.vector_load %arg6[%swap3A_425, %swap3A_426] {strides = array<i32>} : memref<32x256xf32, #tpu.memory_space<vmem>>, vector<16xf32>,
      tpu.vector_store %arg6[%swap3A_425, %swap3A_426], %broadcast_in_dim3A_3 {strides = array<i32>} : memref<32x256xf32, #tpu.memory_space<vmem>>, vector<16xf32>,
      %swap3A_428 = arith.index_cast %scan3A_356 : i32 to index
      %swap3A_429 = arith.constant 128 : index
      %swap3A_430 = tpu.vector_load %arg6[%swap3A_428, %swap3A_429] {strides = array<i32>} : memref<32x256xf32, #tpu.memory_space<vmem>>, vector<16xf32>,
      tpu.vector_store %arg6[%swap3A_428, %swap3A_429], %broadcast_in_dim3A_3 {strides = array<i32>} : memref<32x256xf32, #tpu.memory_space<vmem>>, vector<16xf32>,
      %swap3A_431 = arith.index_cast %scan3A_356 : i32 to index
      %swap3A_432 = arith.constant 144 : index
      %swap3A_433 = tpu.vector_load %arg6[%swap3A_431, %swap3A_432] {strides = array<i32>} : memref<32x256xf32, #tpu.memory_space<vmem>>, vector<16xf32>,
      tpu.vector_store %arg6[%swap3A_431, %swap3A_432], %broadcast_in_dim3A_3 {strides = array<i32>} : memref<32x256xf32, #tpu.memory_space<vmem>>, vector<16xf32>,
      %swap3A_434 = arith.index_cast %scan3A_356 : i32 to index
      %swap3A_435 = arith.constant 160 : index
      %swap3A_436 = tpu.vector_load %arg6[%swap3A_434, %swap3A_435] {strides = array<i32>} : memref<32x256xf32, #tpu.memory_space<vmem>>, vector<16xf32>,
      tpu.vector_store %arg6[%swap3A_434, %swap3A_435], %broadcast_in_dim3A_3 {strides = array<i32>} : memref<32x256xf32, #tpu.memory_space<vmem>>, vector<16xf32>,
      %swap3A_437 = arith.index_cast %scan3A_356 : i32 to index
      %swap3A_438 = arith.constant 176 : index
      %swap3A_439 = tpu.vector_load %arg6[%swap3A_437, %swap3A_438] {strides = array<i32>} : memref<32x256xf32, #tpu.memory_space<vmem>>, vector<16xf32>,
      tpu.vector_store %arg6[%swap3A_437, %swap3A_438], %broadcast_in_dim3A_3 {strides = array<i32>} : memref<32x256xf32, #tpu.memory_space<vmem>>, vector<16xf32>,
      %swap3A_440 = arith.index_cast %scan3A_356 : i32 to index
      %swap3A_441 = arith.constant 192 : index
      %swap3A_442 = tpu.vector_load %arg6[%swap3A_440, %swap3A_441] {strides = array<i32>} : memref<32x256xf32, #tpu.memory_space<vmem>>, vector<16xf32>,
      tpu.vector_store %arg6[%swap3A_440, %swap3A_441], %broadcast_in_dim3A_3 {strides = array<i32>} : memref<32x256xf32, #tpu.memory_space<vmem>>, vector<16xf32>,
      %swap3A_443 = arith.index_cast %scan3A_356 : i32 to index
      %swap3A_444 = arith.constant 208 : index
      %swap3A_445 = tpu.vector_load %arg6[%swap3A_443, %swap3A_444] {strides = array<i32>} : memref<32x256xf32, #tpu.memory_space<vmem>>, vector<16xf32>,
      tpu.vector_store %arg6[%swap3A_443, %swap3A_444], %broadcast_in_dim3A_3 {strides = array<i32>} : memref<32x256xf32, #tpu.memory_space<vmem>>, vector<16xf32>,
      %swap3A_446 = arith.index_cast %scan3A_356 : i32 to index
      %swap3A_447 = arith.constant 224 : index
      %swap3A_448 = tpu.vector_load %arg6[%swap3A_446, %swap3A_447] {strides = array<i32>} : memref<32x256xf32, #tpu.memory_space<vmem>>, vector<16xf32>,
      tpu.vector_store %arg6[%swap3A_446, %swap3A_447], %broadcast_in_dim3A_3 {strides = array<i32>} : memref<32x256xf32, #tpu.memory_space<vmem>>, vector<16xf32>,
      %swap3A_449 = arith.index_cast %scan3A_356 : i32 to index
      %swap3A_450 = arith.constant 240 : index
      %swap3A_451 = tpu.vector_load %arg6[%swap3A_449, %swap3A_450] {strides = array<i32>} : memref<32x256xf32, #tpu.memory_space<vmem>>, vector<16xf32>,
      tpu.vector_store %arg6[%swap3A_449, %swap3A_450], %broadcast_in_dim3A_3 {strides = array<i32>} : memref<32x256xf32, #tpu.memory_space<vmem>>, vector<16xf32>,
    }
    %scan3A_10 = arith.constant 32 : i32
    %mul3A_11 = arith.constant 24 : i32
    %mul3A_12 = arith.muli %add3A, %mul3A_11 : i32
    %add3A_13 = arith.constant 0 : i32
    %add3A_14 = arith.addi %add3A_13, %mul3A_12 : i32
    %rem3A = arith.constant 200 : i32
    %rem3A_15 = arith.remsi %add3A_14, %rem3A : i32
    %jit3A = arith.constant 4 : i32
    %div3A = arith.divsi %rem3A_15, %jit3A : i32
    %sign3A = arith.constant 0 : i32
    %sign3A_16 = arith.cmpi sgt, %rem3A_15, %sign3A : i32
    %sign3A_17 = arith.extui %sign3A_16 : i1 to i32
    %sign3A_18 = arith.constant 0 : i32
    %sign3A_19 = arith.cmpi slt, %rem3A_15, %sign3A_18 : i32
    %sign3A_20 = arith.extui %sign3A_19 : i1 to i32
    %sign3A_21 = arith.subi %sign3A_17, %sign3A_20 : i32
    %sign3A_22 = arith.constant 0 : i32
    %sign3A_23 = arith.cmpi sgt, %jit3A, %sign3A_22 : i32
    %sign3A_24 = arith.extui %sign3A_23 : i1 to i32
    %sign3A_25 = arith.constant 0 : i32
    %sign3A_26 = arith.cmpi slt, %jit3A, %sign3A_25 : i32
    %sign3A_27 = arith.extui %sign3A_26 : i1 to i32
    %sign3A_28 = arith.subi %sign3A_24, %sign3A_27 : i32
    %ne3A = arith.cmpi ne, %sign3A_21, %sign3A_28 : i32
    %rem3A_29 = arith.remsi %rem3A_15, %jit3A : i32
    %ne3A_30 = arith.constant 0 : i32
    %ne3A_31 = arith.cmpi ne, %rem3A_29, %ne3A_30 : i32
    %and3A = arith.andi %ne3A, %ne3A_31 : i1
    %sub3A = arith.constant 1 : i32
    %sub3A_32 = arith.subi %div3A, %sub3A : i32
    %select_n3A = arith.select %and3A, %sub3A_32, %div3A : i32
    %jit3A_33 = arith.constant 4 : i32
    %eq3A = arith.constant 0 : i32
    %eq3A_34 = arith.cmpi eq, %jit3A_33, %eq3A : i32
    %jit3A_35 = arith.constant 1 : i32
    %select_n3A_36 = arith.select %eq3A_34, %jit3A_35, %jit3A_33 : i32
    %rem3A_37 = arith.remsi %rem3A_15, %select_n3A_36 : i32
    %ne3A_38 = arith.constant 0 : i32
    %ne3A_39 = arith.cmpi ne, %rem3A_37, %ne3A_38 : i32
    %lt3A = arith.constant 0 : i32
    %lt3A_40 = arith.cmpi slt, %rem3A_37, %lt3A : i32
    %lt3A_41 = arith.constant 0 : i32
    %lt3A_42 = arith.cmpi slt, %select_n3A_36, %lt3A_41 : i32
    %ne3A_43 = arith.xori %lt3A_40, %lt3A_42 : i1
    %and3A_44 = arith.andi %ne3A_43, %ne3A_39 : i1
    %add3A_45 = arith.addi %rem3A_37, %select_n3A_36 : i32
    %select_n3A_46 = arith.select %and3A_44, %add3A_45, %rem3A_37 : i32
    %add3A_47 = arith.constant 0 : i32
    %add3A_48 = vector.broadcast %add3A_47 : i32 to vector<16xi32>
    %add3A_49 = arith.addi %add3A_48, %iota3A : vector<16xi32>
    %mul3A_50 = arith.constant 32 : i32
    %mul3A_51 = arith.muli %select_n3A_46, %mul3A_50 : i32
    %add3A_52 = arith.constant 0 : i32
    %add3A_53 = arith.addi %mul3A_51, %add3A_52 : i32
    %get3A = arith.index_cast %select_n3A : i32 to index
    %get3A_54 = arith.index_cast %add3A_53 : i32 to index
    %get3A_55 = tpu.vector_load %arg4[%get3A, %get3A_54] {strides = array<i32>} : memref<50x128xi32, #tpu.memory_space<vmem>>, vector<16xi32>,
    tpu.vector_store_idx %arg5[%add3A_49, %get3A_55], %broadcast_in_dim3A_5 : memref<32x256xf32, #tpu.memory_space<vmem>>[vector<16xi32>, vector<16xi32>], vector<16xf32>,
    %add3A_56 = arith.constant 16 : i32
    %add3A_57 = vector.broadcast %add3A_56 : i32 to vector<16xi32>
    %add3A_58 = arith.addi %add3A_57, %iota3A : vector<16xi32>
    %mul3A_59 = arith.constant 32 : i32
    %mul3A_60 = arith.muli %select_n3A_46, %mul3A_59 : i32
    %add3A_61 = arith.constant 16 : i32
    %add3A_62 = arith.addi %mul3A_60, %add3A_61 : i32
    %get3A_63 = arith.index_cast %select_n3A : i32 to index
    %get3A_64 = arith.index_cast %add3A_62 : i32 to index
    %get3A_65 = tpu.vector_load %arg4[%get3A_63, %get3A_64] {strides = array<i32>} : memref<50x128xi32, #tpu.memory_space<vmem>>, vector<16xi32>,
    tpu.vector_store_idx %arg5[%add3A_58, %get3A_65], %broadcast_in_dim3A_5 : memref<32x256xf32, #tpu.memory_space<vmem>>[vector<16xi32>, vector<16xi32>], vector<16xf32>,
    %mul3A_66 = arith.constant 24 : i32
    %mul3A_67 = arith.muli %add3A, %mul3A_66 : i32
    %add3A_68 = arith.constant 0 : i32
    %add3A_69 = arith.addi %add3A_68, %mul3A_67 : i32
    %rem3A_70 = arith.constant 200 : i32
    %rem3A_71 = arith.remsi %add3A_69, %rem3A_70 : i32
    %jit3A_72 = arith.constant 4 : i32
    %div3A_73 = arith.divsi %rem3A_71, %jit3A_72 : i32
    %sign3A_74 = arith.constant 0 : i32
    %sign3A_75 = arith.cmpi sgt, %rem3A_71, %sign3A_74 : i32
    %sign3A_76 = arith.extui %sign3A_75 : i1 to i32
    %sign3A_77 = arith.constant 0 : i32
    %sign3A_78 = arith.cmpi slt, %rem3A_71, %sign3A_77 : i32
    %sign3A_79 = arith.extui %sign3A_78 : i1 to i32
    %sign3A_80 = arith.subi %sign3A_76, %sign3A_79 : i32
    %sign3A_81 = arith.constant 0 : i32
    %sign3A_82 = arith.cmpi sgt, %jit3A_72, %sign3A_81 : i32
    %sign3A_83 = arith.extui %sign3A_82 : i1 to i32
    %sign3A_84 = arith.constant 0 : i32
    %sign3A_85 = arith.cmpi slt, %jit3A_72, %sign3A_84 : i32
    %sign3A_86 = arith.extui %sign3A_85 : i1 to i32
    %sign3A_87 = arith.subi %sign3A_83, %sign3A_86 : i32
    %ne3A_88 = arith.cmpi ne, %sign3A_80, %sign3A_87 : i32
    %rem3A_89 = arith.remsi %rem3A_71, %jit3A_72 : i32
    %ne3A_90 = arith.constant 0 : i32
    %ne3A_91 = arith.cmpi ne, %rem3A_89, %ne3A_90 : i32
    %and3A_92 = arith.andi %ne3A_88, %ne3A_91 : i1
    %sub3A_93 = arith.constant 1 : i32
    %sub3A_94 = arith.subi %div3A_73, %sub3A_93 : i32
    %select_n3A_95 = arith.select %and3A_92, %sub3A_94, %div3A_73 : i32
    %jit3A_96 = arith.constant 4 : i32
    %eq3A_97 = arith.constant 0 : i32
    %eq3A_98 = arith.cmpi eq, %jit3A_96, %eq3A_97 : i32
    %jit3A_99 = arith.constant 1 : i32
    %select_n3A_100 = arith.select %eq3A_98, %jit3A_99, %jit3A_96 : i32
    %rem3A_101 = arith.remsi %rem3A_71, %select_n3A_100 : i32
    %ne3A_102 = arith.constant 0 : i32
    %ne3A_103 = arith.cmpi ne, %rem3A_101, %ne3A_102 : i32
    %lt3A_104 = arith.constant 0 : i32
    %lt3A_105 = arith.cmpi slt, %rem3A_101, %lt3A_104 : i32
    %lt3A_106 = arith.constant 0 : i32
    %lt3A_107 = arith.cmpi slt, %select_n3A_100, %lt3A_106 : i32
    %ne3A_108 = arith.xori %lt3A_105, %lt3A_107 : i1
    %and3A_109 = arith.andi %ne3A_108, %ne3A_103 : i1
    %add3A_110 = arith.addi %rem3A_101, %select_n3A_100 : i32
    %select_n3A_111 = arith.select %and3A_109, %add3A_110, %rem3A_101 : i32
    %mul3A_112 = arith.constant 32 : i32
    %mul3A_113 = arith.muli %select_n3A_111, %mul3A_112 : i32
    %add3A_114 = arith.addi %mul3A_2, %mul3A_113 : i32
    %dma_start3A = arith.constant 0 : i32
    %dma_start3A_115 = tpu.memref_slice %arg3[%select_n3A_95, %add3A_114, %dma_start3A] : memref<50x4096x256xf32, #tpu.memory_space<hbm>> -> memref<1x32x256xf32, #tpu.memory_space<hbm>>
    %dma_start3A_116 = tpu.memref_squeeze %dma_start3A_115 : memref<1x32x256xf32, #tpu.memory_space<hbm>> -> memref<32x256xf32, #tpu.memory_space<hbm>>
    %dma_start3A_117 = arith.constant 0 : i32
    %dma_start3A_118 = tpu.memref_slice %arg3[%select_n3A_95, %add3A_114, %dma_start3A_117] : memref<50x4096x256xf32, #tpu.memory_space<hbm>> -> memref<1x32x256xf32, #tpu.memory_space<hbm>>
    %dma_start3A_119 = tpu.memref_squeeze %dma_start3A_118 : memref<1x32x256xf32, #tpu.memory_space<hbm>> -> memref<32x256xf32, #tpu.memory_space<hbm>>
    tpu.enqueue_dma source(%arg5 : memref<32x256xf32, #tpu.memory_space<vmem>>) target(%dma_start3A_119 : memref<32x256xf32, #tpu.memory_space<hbm>>) target_semaphore(%arg7 : memref<!tpu.dma_semaphore, #tpu.memory_space<semaphore_mem>>)
    %mul3A_120 = arith.constant 24 : i32
    %mul3A_121 = arith.muli %add3A, %mul3A_120 : i32
    %add3A_122 = arith.constant 1 : i32
    %add3A_123 = arith.addi %add3A_122, %mul3A_121 : i32
    %rem3A_124 = arith.constant 200 : i32
    %rem3A_125 = arith.remsi %add3A_123, %rem3A_124 : i32
    %jit3A_126 = arith.constant 4 : i32
    %div3A_127 = arith.divsi %rem3A_125, %jit3A_126 : i32
    %sign3A_128 = arith.constant 0 : i32
    %sign3A_129 = arith.cmpi sgt, %rem3A_125, %sign3A_128 : i32
    %sign3A_130 = arith.extui %sign3A_129 : i1 to i32
    %sign3A_131 = arith.constant 0 : i32
    %sign3A_132 = arith.cmpi slt, %rem3A_125, %sign3A_131 : i32
    %sign3A_133 = arith.extui %sign3A_132 : i1 to i32
    %sign3A_134 = arith.subi %sign3A_130, %sign3A_133 : i32
    %sign3A_135 = arith.constant 0 : i32
    %sign3A_136 = arith.cmpi sgt, %jit3A_126, %sign3A_135 : i32
    %sign3A_137 = arith.extui %sign3A_136 : i1 to i32
    %sign3A_138 = arith.constant 0 : i32
    %sign3A_139 = arith.cmpi slt, %jit3A_126, %sign3A_138 : i32
    %sign3A_140 = arith.extui %sign3A_139 : i1 to i32
    %sign3A_141 = arith.subi %sign3A_137, %sign3A_140 : i32
    %ne3A_142 = arith.cmpi ne, %sign3A_134, %sign3A_141 : i32
    %rem3A_143 = arith.remsi %rem3A_125, %jit3A_126 : i32
    %ne3A_144 = arith.constant 0 : i32
    %ne3A_145 = arith.cmpi ne, %rem3A_143, %ne3A_144 : i32
    %and3A_146 = arith.andi %ne3A_142, %ne3A_145 : i1
    %sub3A_147 = arith.constant 1 : i32
    %sub3A_148 = arith.subi %div3A_127, %sub3A_147 : i32
    %select_n3A_149 = arith.select %and3A_146, %sub3A_148, %div3A_127 : i32
    %jit3A_150 = arith.constant 4 : i32
    %eq3A_151 = arith.constant 0 : i32
    %eq3A_152 = arith.cmpi eq, %jit3A_150, %eq3A_151 : i32
    %jit3A_153 = arith.constant 1 : i32
    %select_n3A_154 = arith.select %eq3A_152, %jit3A_153, %jit3A_150 : i32
    %rem3A_155 = arith.remsi %rem3A_125, %select_n3A_154 : i32
    %ne3A_156 = arith.constant 0 : i32
    %ne3A_157 = arith.cmpi ne, %rem3A_155, %ne3A_156 : i32
    %lt3A_158 = arith.constant 0 : i32
    %lt3A_159 = arith.cmpi slt, %rem3A_155, %lt3A_158 : i32
    %lt3A_160 = arith.constant 0 : i32
    %lt3A_161 = arith.cmpi slt, %select_n3A_154, %lt3A_160 : i32
    %ne3A_162 = arith.xori %lt3A_159, %lt3A_161 : i1
    %and3A_163 = arith.andi %ne3A_162, %ne3A_157 : i1
    %add3A_164 = arith.addi %rem3A_155, %select_n3A_154 : i32
    %select_n3A_165 = arith.select %and3A_163, %add3A_164, %rem3A_155 : i32
    %add3A_166 = arith.constant 0 : i32
    %add3A_167 = vector.broadcast %add3A_166 : i32 to vector<16xi32>
    %add3A_168 = arith.addi %add3A_167, %iota3A : vector<16xi32>
    %mul3A_169 = arith.constant 32 : i32
    %mul3A_170 = arith.muli %select_n3A_165, %mul3A_169 : i32
    %add3A_171 = arith.constant 0 : i32
    %add3A_172 = arith.addi %mul3A_170, %add3A_171 : i32
    %get3A_173 = arith.index_cast %select_n3A_149 : i32 to index
    %get3A_174 = arith.index_cast %add3A_172 : i32 to index
    %get3A_175 = tpu.vector_load %arg4[%get3A_173, %get3A_174] {strides = array<i32>} : memref<50x128xi32, #tpu.memory_space<vmem>>, vector<16xi32>,
    tpu.vector_store_idx %arg6[%add3A_168, %get3A_175], %broadcast_in_dim3A_5 : memref<32x256xf32, #tpu.memory_space<vmem>>[vector<16xi32>, vector<16xi32>], vector<16xf32>,
    %add3A_176 = arith.constant 16 : i32
    %add3A_177 = vector.broadcast %add3A_176 : i32 to vector<16xi32>
    %add3A_178 = arith.addi %add3A_177, %iota3A : vector<16xi32>
    %mul3A_179 = arith.constant 32 : i32
    %mul3A_180 = arith.muli %select_n3A_165, %mul3A_179 : i32
    %add3A_181 = arith.constant 16 : i32
    %add3A_182 = arith.addi %mul3A_180, %add3A_181 : i32
    %get3A_183 = arith.index_cast %select_n3A_149 : i32 to index
    %get3A_184 = arith.index_cast %add3A_182 : i32 to index
    %get3A_185 = tpu.vector_load %arg4[%get3A_183, %get3A_184] {strides = array<i32>} : memref<50x128xi32, #tpu.memory_space<vmem>>, vector<16xi32>,
    tpu.vector_store_idx %arg6[%add3A_178, %get3A_185], %broadcast_in_dim3A_5 : memref<32x256xf32, #tpu.memory_space<vmem>>[vector<16xi32>, vector<16xi32>], vector<16xf32>,
    %mul3A_186 = arith.constant 24 : i32
    %mul3A_187 = arith.muli %add3A, %mul3A_186 : i32
    %add3A_188 = arith.constant 1 : i32
    %add3A_189 = arith.addi %add3A_188, %mul3A_187 : i32
    %rem3A_190 = arith.constant 200 : i32
    %rem3A_191 = arith.remsi %add3A_189, %rem3A_190 : i32
    %jit3A_192 = arith.constant 4 : i32
    %div3A_193 = arith.divsi %rem3A_191, %jit3A_192 : i32
    %sign3A_194 = arith.constant 0 : i32
    %sign3A_195 = arith.cmpi sgt, %rem3A_191, %sign3A_194 : i32
    %sign3A_196 = arith.extui %sign3A_195 : i1 to i32
    %sign3A_197 = arith.constant 0 : i32
    %sign3A_198 = arith.cmpi slt, %rem3A_191, %sign3A_197 : i32
    %sign3A_199 = arith.extui %sign3A_198 : i1 to i32
    %sign3A_200 = arith.subi %sign3A_196, %sign3A_199 : i32
    %sign3A_201 = arith.constant 0 : i32
    %sign3A_202 = arith.cmpi sgt, %jit3A_192, %sign3A_201 : i32
    %sign3A_203 = arith.extui %sign3A_202 : i1 to i32
    %sign3A_204 = arith.constant 0 : i32
    %sign3A_205 = arith.cmpi slt, %jit3A_192, %sign3A_204 : i32
    %sign3A_206 = arith.extui %sign3A_205 : i1 to i32
    %sign3A_207 = arith.subi %sign3A_203, %sign3A_206 : i32
    %ne3A_208 = arith.cmpi ne, %sign3A_200, %sign3A_207 : i32
    %rem3A_209 = arith.remsi %rem3A_191, %jit3A_192 : i32
    %ne3A_210 = arith.constant 0 : i32
    %ne3A_211 = arith.cmpi ne, %rem3A_209, %ne3A_210 : i32
    %and3A_212 = arith.andi %ne3A_208, %ne3A_211 : i1
    %sub3A_213 = arith.constant 1 : i32
    %sub3A_214 = arith.subi %div3A_193, %sub3A_213 : i32
    %select_n3A_215 = arith.select %and3A_212, %sub3A_214, %div3A_193 : i32
    %jit3A_216 = arith.constant 4 : i32
    %eq3A_217 = arith.constant 0 : i32
    %eq3A_218 = arith.cmpi eq, %jit3A_216, %eq3A_217 : i32
    %jit3A_219 = arith.constant 1 : i32
    %select_n3A_220 = arith.select %eq3A_218, %jit3A_219, %jit3A_216 : i32
    %rem3A_221 = arith.remsi %rem3A_191, %select_n3A_220 : i32
    %ne3A_222 = arith.constant 0 : i32
    %ne3A_223 = arith.cmpi ne, %rem3A_221, %ne3A_222 : i32
    %lt3A_224 = arith.constant 0 : i32
    %lt3A_225 = arith.cmpi slt, %rem3A_221, %lt3A_224 : i32
    %lt3A_226 = arith.constant 0 : i32
    %lt3A_227 = arith.cmpi slt, %select_n3A_220, %lt3A_226 : i32
    %ne3A_228 = arith.xori %lt3A_225, %lt3A_227 : i1
    %and3A_229 = arith.andi %ne3A_228, %ne3A_223 : i1
    %add3A_230 = arith.addi %rem3A_221, %select_n3A_220 : i32
    %select_n3A_231 = arith.select %and3A_229, %add3A_230, %rem3A_221 : i32
    %mul3A_232 = arith.constant 32 : i32
    %mul3A_233 = arith.muli %select_n3A_231, %mul3A_232 : i32
    %add3A_234 = arith.addi %mul3A_2, %mul3A_233 : i32
    %dma_start3A_235 = arith.constant 0 : i32
    %dma_start3A_236 = tpu.memref_slice %arg3[%select_n3A_215, %add3A_234, %dma_start3A_235] : memref<50x4096x256xf32, #tpu.memory_space<hbm>> -> memref<1x32x256xf32, #tpu.memory_space<hbm>>
    %dma_start3A_237 = tpu.memref_squeeze %dma_start3A_236 : memref<1x32x256xf32, #tpu.memory_space<hbm>> -> memref<32x256xf32, #tpu.memory_space<hbm>>
    %dma_start3A_238 = arith.constant 0 : i32
    %dma_start3A_239 = tpu.memref_slice %arg3[%select_n3A_215, %add3A_234, %dma_start3A_238] : memref<50x4096x256xf32, #tpu.memory_space<hbm>> -> memref<1x32x256xf32, #tpu.memory_space<hbm>>
    %dma_start3A_240 = tpu.memref_squeeze %dma_start3A_239 : memref<1x32x256xf32, #tpu.memory_space<hbm>> -> memref<32x256xf32, #tpu.memory_space<hbm>>
    tpu.enqueue_dma source(%arg6 : memref<32x256xf32, #tpu.memory_space<vmem>>) target(%dma_start3A_240 : memref<32x256xf32, #tpu.memory_space<hbm>>) target_semaphore(%arg8 : memref<!tpu.dma_semaphore, #tpu.memory_space<semaphore_mem>>)
    %scan3A_241 = arith.constant 0 : i32
    %scan3A_242 = arith.constant 1 : i32
    %scan3A_243 = arith.constant 99 : i32
    %scan3A_244 = arith.addi %scan3A_242, %scan3A_243 : i32
    %scan3A_245 = arith.constant 1 : i32
    scf.for %scan3A_356 = %scan3A_242 to %scan3A_244 step %scan3A_245  : i32 {
      %mul3A_357 = arith.constant 2 : i32
      %mul3A_358 = arith.muli %scan3A_356, %mul3A_357 : i32
      %add3A_359 = arith.constant 0 : i32
      %add3A_360 = arith.addi %mul3A_358, %add3A_359 : i32
      %sub3A_361 = arith.constant 2 : i32
      %sub3A_362 = arith.subi %add3A_360, %sub3A_361 : i32
      %mul3A_363 = arith.constant 24 : i32
      %mul3A_364 = arith.muli %add3A, %mul3A_363 : i32
      %add3A_365 = arith.addi %sub3A_362, %mul3A_364 : i32
      %rem3A_366 = arith.constant 200 : i32
      %rem3A_367 = arith.remsi %add3A_365, %rem3A_366 : i32
      %jit3A_368 = arith.constant 4 : i32
      %div3A_369 = arith.divsi %rem3A_367, %jit3A_368 : i32
      %sign3A_370 = arith.constant 0 : i32
      %sign3A_371 = arith.cmpi sgt, %rem3A_367, %sign3A_370 : i32
      %sign3A_372 = arith.extui %sign3A_371 : i1 to i32
      %sign3A_373 = arith.constant 0 : i32
      %sign3A_374 = arith.cmpi slt, %rem3A_367, %sign3A_373 : i32
      %sign3A_375 = arith.extui %sign3A_374 : i1 to i32
      %sign3A_376 = arith.subi %sign3A_372, %sign3A_375 : i32
      %sign3A_377 = arith.constant 0 : i32
      %sign3A_378 = arith.cmpi sgt, %jit3A_368, %sign3A_377 : i32
      %sign3A_379 = arith.extui %sign3A_378 : i1 to i32
      %sign3A_380 = arith.constant 0 : i32
      %sign3A_381 = arith.cmpi slt, %jit3A_368, %sign3A_380 : i32
      %sign3A_382 = arith.extui %sign3A_381 : i1 to i32
      %sign3A_383 = arith.subi %sign3A_379, %sign3A_382 : i32
      %ne3A_384 = arith.cmpi ne, %sign3A_376, %sign3A_383 : i32
      %rem3A_385 = arith.remsi %rem3A_367, %jit3A_368 : i32
      %ne3A_386 = arith.constant 0 : i32
      %ne3A_387 = arith.cmpi ne, %rem3A_385, %ne3A_386 : i32
      %and3A_388 = arith.andi %ne3A_384, %ne3A_387 : i1
      %sub3A_389 = arith.constant 1 : i32
      %sub3A_390 = arith.subi %div3A_369, %sub3A_389 : i32
      %select_n3A_391 = arith.select %and3A_388, %sub3A_390, %div3A_369 : i32
      %jit3A_392 = arith.constant 4 : i32
      %eq3A_393 = arith.constant 0 : i32
      %eq3A_394 = arith.cmpi eq, %jit3A_392, %eq3A_393 : i32
      %jit3A_395 = arith.constant 1 : i32
      %select_n3A_396 = arith.select %eq3A_394, %jit3A_395, %jit3A_392 : i32
      %rem3A_397 = arith.remsi %rem3A_367, %select_n3A_396 : i32
      %ne3A_398 = arith.constant 0 : i32
      %ne3A_399 = arith.cmpi ne, %rem3A_397, %ne3A_398 : i32
      %lt3A_400 = arith.constant 0 : i32
      %lt3A_401 = arith.cmpi slt, %rem3A_397, %lt3A_400 : i32
      %lt3A_402 = arith.constant 0 : i32
      %lt3A_403 = arith.cmpi slt, %select_n3A_396, %lt3A_402 : i32
      %ne3A_404 = arith.xori %lt3A_401, %lt3A_403 : i1
      %and3A_405 = arith.andi %ne3A_404, %ne3A_399 : i1
      %add3A_406 = arith.addi %rem3A_397, %select_n3A_396 : i32
      %select_n3A_407 = arith.select %and3A_405, %add3A_406, %rem3A_397 : i32
      %mul3A_408 = arith.constant 32 : i32
      %mul3A_409 = arith.muli %select_n3A_407, %mul3A_408 : i32
      %add3A_410 = arith.addi %mul3A_2, %mul3A_409 : i32
      %dma_wait3A_411 = arith.constant 0 : i32
      %dma_wait3A_412 = tpu.memref_slice %arg3[%select_n3A_391, %add3A_410, %dma_wait3A_411] : memref<50x4096x256xf32, #tpu.memory_space<hbm>> -> memref<1x32x256xf32, #tpu.memory_space<hbm>>
      %dma_wait3A_413 = tpu.memref_squeeze %dma_wait3A_412 : memref<1x32x256xf32, #tpu.memory_space<hbm>> -> memref<32x256xf32, #tpu.memory_space<hbm>>
      %dma_wait3A_414 = arith.constant 0 : i32
      %dma_wait3A_415 = tpu.memref_slice %arg3[%select_n3A_391, %add3A_410, %dma_wait3A_414] : memref<50x4096x256xf32, #tpu.memory_space<hbm>> -> memref<1x32x256xf32, #tpu.memory_space<hbm>>
      %dma_wait3A_416 = tpu.memref_squeeze %dma_wait3A_415 : memref<1x32x256xf32, #tpu.memory_space<hbm>> -> memref<32x256xf32, #tpu.memory_space<hbm>>
      tpu.wait_dma2 semaphore(%arg7 : memref<!tpu.dma_semaphore, #tpu.memory_space<semaphore_mem>>) src(%arg5 : memref<32x256xf32, #tpu.memory_space<vmem>>) dst(%dma_wait3A_416 : memref<32x256xf32, #tpu.memory_space<hbm>>)
      %sub3A_417 = arith.constant 2 : i32
      %sub3A_418 = arith.subi %add3A_360, %sub3A_417 : i32
      %mul3A_419 = arith.constant 24 : i32
      %mul3A_420 = arith.muli %add3A, %mul3A_419 : i32
      %add3A_421 = arith.addi %sub3A_418, %mul3A_420 : i32
      %rem3A_422 = arith.constant 200 : i32
      %rem3A_423 = arith.remsi %add3A_421, %rem3A_422 : i32
      %jit3A_424 = arith.constant 4 : i32
      %div3A_425 = arith.divsi %rem3A_423, %jit3A_424 : i32
      %sign3A_426 = arith.constant 0 : i32
      %sign3A_427 = arith.cmpi sgt, %rem3A_423, %sign3A_426 : i32
      %sign3A_428 = arith.extui %sign3A_427 : i1 to i32
      %sign3A_429 = arith.constant 0 : i32
      %sign3A_430 = arith.cmpi slt, %rem3A_423, %sign3A_429 : i32
      %sign3A_431 = arith.extui %sign3A_430 : i1 to i32
      %sign3A_432 = arith.subi %sign3A_428, %sign3A_431 : i32
      %sign3A_433 = arith.constant 0 : i32
      %sign3A_434 = arith.cmpi sgt, %jit3A_424, %sign3A_433 : i32
      %sign3A_435 = arith.extui %sign3A_434 : i1 to i32
      %sign3A_436 = arith.constant 0 : i32
      %sign3A_437 = arith.cmpi slt, %jit3A_424, %sign3A_436 : i32
      %sign3A_438 = arith.extui %sign3A_437 : i1 to i32
      %sign3A_439 = arith.subi %sign3A_435, %sign3A_438 : i32
      %ne3A_440 = arith.cmpi ne, %sign3A_432, %sign3A_439 : i32
      %rem3A_441 = arith.remsi %rem3A_423, %jit3A_424 : i32
      %ne3A_442 = arith.constant 0 : i32
      %ne3A_443 = arith.cmpi ne, %rem3A_441, %ne3A_442 : i32
      %and3A_444 = arith.andi %ne3A_440, %ne3A_443 : i1
      %sub3A_445 = arith.constant 1 : i32
      %sub3A_446 = arith.subi %div3A_425, %sub3A_445 : i32
      %select_n3A_447 = arith.select %and3A_444, %sub3A_446, %div3A_425 : i32
      %jit3A_448 = arith.constant 4 : i32
      %eq3A_449 = arith.constant 0 : i32
      %eq3A_450 = arith.cmpi eq, %jit3A_448, %eq3A_449 : i32
      %jit3A_451 = arith.constant 1 : i32
      %select_n3A_452 = arith.select %eq3A_450, %jit3A_451, %jit3A_448 : i32
      %rem3A_453 = arith.remsi %rem3A_423, %select_n3A_452 : i32
      %ne3A_454 = arith.constant 0 : i32
      %ne3A_455 = arith.cmpi ne, %rem3A_453, %ne3A_454 : i32
      %lt3A_456 = arith.constant 0 : i32
      %lt3A_457 = arith.cmpi slt, %rem3A_453, %lt3A_456 : i32
      %lt3A_458 = arith.constant 0 : i32
      %lt3A_459 = arith.cmpi slt, %select_n3A_452, %lt3A_458 : i32
      %ne3A_460 = arith.xori %lt3A_457, %lt3A_459 : i1
      %and3A_461 = arith.andi %ne3A_460, %ne3A_455 : i1
      %add3A_462 = arith.addi %rem3A_453, %select_n3A_452 : i32
      %select_n3A_463 = arith.select %and3A_461, %add3A_462, %rem3A_453 : i32
      %add3A_464 = arith.constant 0 : i32
      %add3A_465 = vector.broadcast %add3A_464 : i32 to vector<16xi32>
      %add3A_466 = arith.addi %add3A_465, %iota3A : vector<16xi32>
      %mul3A_467 = arith.constant 32 : i32
      %mul3A_468 = arith.muli %select_n3A_463, %mul3A_467 : i32
      %add3A_469 = arith.constant 0 : i32
      %add3A_470 = arith.addi %mul3A_468, %add3A_469 : i32
      %get3A_471 = arith.index_cast %select_n3A_447 : i32 to index
      %get3A_472 = arith.index_cast %add3A_470 : i32 to index
      %get3A_473 = tpu.vector_load %arg4[%get3A_471, %get3A_472] {strides = array<i32>} : memref<50x128xi32, #tpu.memory_space<vmem>>, vector<16xi32>,
      tpu.vector_store_idx %arg5[%add3A_466, %get3A_473], %broadcast_in_dim3A_3 : memref<32x256xf32, #tpu.memory_space<vmem>>[vector<16xi32>, vector<16xi32>], vector<16xf32>,
      %add3A_474 = arith.constant 16 : i32
      %add3A_475 = vector.broadcast %add3A_474 : i32 to vector<16xi32>
      %add3A_476 = arith.addi %add3A_475, %iota3A : vector<16xi32>
      %mul3A_477 = arith.constant 32 : i32
      %mul3A_478 = arith.muli %select_n3A_463, %mul3A_477 : i32
      %add3A_479 = arith.constant 16 : i32
      %add3A_480 = arith.addi %mul3A_478, %add3A_479 : i32
      %get3A_481 = arith.index_cast %select_n3A_447 : i32 to index
      %get3A_482 = arith.index_cast %add3A_480 : i32 to index
      %get3A_483 = tpu.vector_load %arg4[%get3A_481, %get3A_482] {strides = array<i32>} : memref<50x128xi32, #tpu.memory_space<vmem>>, vector<16xi32>,
      tpu.vector_store_idx %arg5[%add3A_476, %get3A_483], %broadcast_in_dim3A_3 : memref<32x256xf32, #tpu.memory_space<vmem>>[vector<16xi32>, vector<16xi32>], vector<16xf32>,
      %mul3A_484 = arith.constant 24 : i32
      %mul3A_485 = arith.muli %add3A, %mul3A_484 : i32
      %add3A_486 = arith.addi %add3A_360, %mul3A_485 : i32
      %rem3A_487 = arith.constant 200 : i32
      %rem3A_488 = arith.remsi %add3A_486, %rem3A_487 : i32
      %jit3A_489 = arith.constant 4 : i32
      %div3A_490 = arith.divsi %rem3A_488, %jit3A_489 : i32
      %sign3A_491 = arith.constant 0 : i32
      %sign3A_492 = arith.cmpi sgt, %rem3A_488, %sign3A_491 : i32
      %sign3A_493 = arith.extui %sign3A_492 : i1 to i32
      %sign3A_494 = arith.constant 0 : i32
      %sign3A_495 = arith.cmpi slt, %rem3A_488, %sign3A_494 : i32
      %sign3A_496 = arith.extui %sign3A_495 : i1 to i32
      %sign3A_497 = arith.subi %sign3A_493, %sign3A_496 : i32
      %sign3A_498 = arith.constant 0 : i32
      %sign3A_499 = arith.cmpi sgt, %jit3A_489, %sign3A_498 : i32
      %sign3A_500 = arith.extui %sign3A_499 : i1 to i32
      %sign3A_501 = arith.constant 0 : i32
      %sign3A_502 = arith.cmpi slt, %jit3A_489, %sign3A_501 : i32
      %sign3A_503 = arith.extui %sign3A_502 : i1 to i32
      %sign3A_504 = arith.subi %sign3A_500, %sign3A_503 : i32
      %ne3A_505 = arith.cmpi ne, %sign3A_497, %sign3A_504 : i32
      %rem3A_506 = arith.remsi %rem3A_488, %jit3A_489 : i32
      %ne3A_507 = arith.constant 0 : i32
      %ne3A_508 = arith.cmpi ne, %rem3A_506, %ne3A_507 : i32
      %and3A_509 = arith.andi %ne3A_505, %ne3A_508 : i1
      %sub3A_510 = arith.constant 1 : i32
      %sub3A_511 = arith.subi %div3A_490, %sub3A_510 : i32
      %select_n3A_512 = arith.select %and3A_509, %sub3A_511, %div3A_490 : i32
      %jit3A_513 = arith.constant 4 : i32
      %eq3A_514 = arith.constant 0 : i32
      %eq3A_515 = arith.cmpi eq, %jit3A_513, %eq3A_514 : i32
      %jit3A_516 = arith.constant 1 : i32
      %select_n3A_517 = arith.select %eq3A_515, %jit3A_516, %jit3A_513 : i32
      %rem3A_518 = arith.remsi %rem3A_488, %select_n3A_517 : i32
      %ne3A_519 = arith.constant 0 : i32
      %ne3A_520 = arith.cmpi ne, %rem3A_518, %ne3A_519 : i32
      %lt3A_521 = arith.constant 0 : i32
      %lt3A_522 = arith.cmpi slt, %rem3A_518, %lt3A_521 : i32
      %lt3A_523 = arith.constant 0 : i32
      %lt3A_524 = arith.cmpi slt, %select_n3A_517, %lt3A_523 : i32
      %ne3A_525 = arith.xori %lt3A_522, %lt3A_524 : i1
      %and3A_526 = arith.andi %ne3A_525, %ne3A_520 : i1
      %add3A_527 = arith.addi %rem3A_518, %select_n3A_517 : i32
      %select_n3A_528 = arith.select %and3A_526, %add3A_527, %rem3A_518 : i32
      %add3A_529 = arith.constant 0 : i32
      %add3A_530 = vector.broadcast %add3A_529 : i32 to vector<16xi32>
      %add3A_531 = arith.addi %add3A_530, %iota3A : vector<16xi32>
      %mul3A_532 = arith.constant 32 : i32
      %mul3A_533 = arith.muli %select_n3A_528, %mul3A_532 : i32
      %add3A_534 = arith.constant 0 : i32
      %add3A_535 = arith.addi %mul3A_533, %add3A_534 : i32
      %get3A_536 = arith.index_cast %select_n3A_512 : i32 to index
      %get3A_537 = arith.index_cast %add3A_535 : i32 to index
      %get3A_538 = tpu.vector_load %arg4[%get3A_536, %get3A_537] {strides = array<i32>} : memref<50x128xi32, #tpu.memory_space<vmem>>, vector<16xi32>,
      tpu.vector_store_idx %arg5[%add3A_531, %get3A_538], %broadcast_in_dim3A_5 : memref<32x256xf32, #tpu.memory_space<vmem>>[vector<16xi32>, vector<16xi32>], vector<16xf32>,
      %add3A_539 = arith.constant 16 : i32
      %add3A_540 = vector.broadcast %add3A_539 : i32 to vector<16xi32>
      %add3A_541 = arith.addi %add3A_540, %iota3A : vector<16xi32>
      %mul3A_542 = arith.constant 32 : i32
      %mul3A_543 = arith.muli %select_n3A_528, %mul3A_542 : i32
      %add3A_544 = arith.constant 16 : i32
      %add3A_545 = arith.addi %mul3A_543, %add3A_544 : i32
      %get3A_546 = arith.index_cast %select_n3A_512 : i32 to index
      %get3A_547 = arith.index_cast %add3A_545 : i32 to index
      %get3A_548 = tpu.vector_load %arg4[%get3A_546, %get3A_547] {strides = array<i32>} : memref<50x128xi32, #tpu.memory_space<vmem>>, vector<16xi32>,
      tpu.vector_store_idx %arg5[%add3A_541, %get3A_548], %broadcast_in_dim3A_5 : memref<32x256xf32, #tpu.memory_space<vmem>>[vector<16xi32>, vector<16xi32>], vector<16xf32>,
      %mul3A_549 = arith.constant 24 : i32
      %mul3A_550 = arith.muli %add3A, %mul3A_549 : i32
      %add3A_551 = arith.addi %add3A_360, %mul3A_550 : i32
      %rem3A_552 = arith.constant 200 : i32
      %rem3A_553 = arith.remsi %add3A_551, %rem3A_552 : i32
      %jit3A_554 = arith.constant 4 : i32
      %div3A_555 = arith.divsi %rem3A_553, %jit3A_554 : i32
      %sign3A_556 = arith.constant 0 : i32
      %sign3A_557 = arith.cmpi sgt, %rem3A_553, %sign3A_556 : i32
      %sign3A_558 = arith.extui %sign3A_557 : i1 to i32
      %sign3A_559 = arith.constant 0 : i32
      %sign3A_560 = arith.cmpi slt, %rem3A_553, %sign3A_559 : i32
      %sign3A_561 = arith.extui %sign3A_560 : i1 to i32
      %sign3A_562 = arith.subi %sign3A_558, %sign3A_561 : i32
      %sign3A_563 = arith.constant 0 : i32
      %sign3A_564 = arith.cmpi sgt, %jit3A_554, %sign3A_563 : i32
      %sign3A_565 = arith.extui %sign3A_564 : i1 to i32
      %sign3A_566 = arith.constant 0 : i32
      %sign3A_567 = arith.cmpi slt, %jit3A_554, %sign3A_566 : i32
      %sign3A_568 = arith.extui %sign3A_567 : i1 to i32
      %sign3A_569 = arith.subi %sign3A_565, %sign3A_568 : i32
      %ne3A_570 = arith.cmpi ne, %sign3A_562, %sign3A_569 : i32
      %rem3A_571 = arith.remsi %rem3A_553, %jit3A_554 : i32
      %ne3A_572 = arith.constant 0 : i32
      %ne3A_573 = arith.cmpi ne, %rem3A_571, %ne3A_572 : i32
      %and3A_574 = arith.andi %ne3A_570, %ne3A_573 : i1
      %sub3A_575 = arith.constant 1 : i32
      %sub3A_576 = arith.subi %div3A_555, %sub3A_575 : i32
      %select_n3A_577 = arith.select %and3A_574, %sub3A_576, %div3A_555 : i32
      %jit3A_578 = arith.constant 4 : i32
      %eq3A_579 = arith.constant 0 : i32
      %eq3A_580 = arith.cmpi eq, %jit3A_578, %eq3A_579 : i32
      %jit3A_581 = arith.constant 1 : i32
      %select_n3A_582 = arith.select %eq3A_580, %jit3A_581, %jit3A_578 : i32
      %rem3A_583 = arith.remsi %rem3A_553, %select_n3A_582 : i32
      %ne3A_584 = arith.constant 0 : i32
      %ne3A_585 = arith.cmpi ne, %rem3A_583, %ne3A_584 : i32
      %lt3A_586 = arith.constant 0 : i32
      %lt3A_587 = arith.cmpi slt, %rem3A_583, %lt3A_586 : i32
      %lt3A_588 = arith.constant 0 : i32
      %lt3A_589 = arith.cmpi slt, %select_n3A_582, %lt3A_588 : i32
      %ne3A_590 = arith.xori %lt3A_587, %lt3A_589 : i1
      %and3A_591 = arith.andi %ne3A_590, %ne3A_585 : i1
      %add3A_592 = arith.addi %rem3A_583, %select_n3A_582 : i32
      %select_n3A_593 = arith.select %and3A_591, %add3A_592, %rem3A_583 : i32
      %mul3A_594 = arith.constant 32 : i32
      %mul3A_595 = arith.muli %select_n3A_593, %mul3A_594 : i32
      %add3A_596 = arith.addi %mul3A_2, %mul3A_595 : i32
      %dma_start3A_597 = arith.constant 0 : i32
      %dma_start3A_598 = tpu.memref_slice %arg3[%select_n3A_577, %add3A_596, %dma_start3A_597] : memref<50x4096x256xf32, #tpu.memory_space<hbm>> -> memref<1x32x256xf32, #tpu.memory_space<hbm>>
      %dma_start3A_599 = tpu.memref_squeeze %dma_start3A_598 : memref<1x32x256xf32, #tpu.memory_space<hbm>> -> memref<32x256xf32, #tpu.memory_space<hbm>>
      %dma_start3A_600 = arith.constant 0 : i32
      %dma_start3A_601 = tpu.memref_slice %arg3[%select_n3A_577, %add3A_596, %dma_start3A_600] : memref<50x4096x256xf32, #tpu.memory_space<hbm>> -> memref<1x32x256xf32, #tpu.memory_space<hbm>>
      %dma_start3A_602 = tpu.memref_squeeze %dma_start3A_601 : memref<1x32x256xf32, #tpu.memory_space<hbm>> -> memref<32x256xf32, #tpu.memory_space<hbm>>
      tpu.enqueue_dma source(%arg5 : memref<32x256xf32, #tpu.memory_space<vmem>>) target(%dma_start3A_602 : memref<32x256xf32, #tpu.memory_space<hbm>>) target_semaphore(%arg7 : memref<!tpu.dma_semaphore, #tpu.memory_space<semaphore_mem>>)
      %mul3A_603 = arith.constant 2 : i32
      %mul3A_604 = arith.muli %scan3A_356, %mul3A_603 : i32
      %add3A_605 = arith.constant 1 : i32
      %add3A_606 = arith.addi %mul3A_604, %add3A_605 : i32
      %sub3A_607 = arith.constant 2 : i32
      %sub3A_608 = arith.subi %add3A_606, %sub3A_607 : i32
      %mul3A_609 = arith.constant 24 : i32
      %mul3A_610 = arith.muli %add3A, %mul3A_609 : i32
      %add3A_611 = arith.addi %sub3A_608, %mul3A_610 : i32
      %rem3A_612 = arith.constant 200 : i32
      %rem3A_613 = arith.remsi %add3A_611, %rem3A_612 : i32
      %jit3A_614 = arith.constant 4 : i32
      %div3A_615 = arith.divsi %rem3A_613, %jit3A_614 : i32
      %sign3A_616 = arith.constant 0 : i32
      %sign3A_617 = arith.cmpi sgt, %rem3A_613, %sign3A_616 : i32
      %sign3A_618 = arith.extui %sign3A_617 : i1 to i32
      %sign3A_619 = arith.constant 0 : i32
      %sign3A_620 = arith.cmpi slt, %rem3A_613, %sign3A_619 : i32
      %sign3A_621 = arith.extui %sign3A_620 : i1 to i32
      %sign3A_622 = arith.subi %sign3A_618, %sign3A_621 : i32
      %sign3A_623 = arith.constant 0 : i32
      %sign3A_624 = arith.cmpi sgt, %jit3A_614, %sign3A_623 : i32
      %sign3A_625 = arith.extui %sign3A_624 : i1 to i32
      %sign3A_626 = arith.constant 0 : i32
      %sign3A_627 = arith.cmpi slt, %jit3A_614, %sign3A_626 : i32
      %sign3A_628 = arith.extui %sign3A_627 : i1 to i32
      %sign3A_629 = arith.subi %sign3A_625, %sign3A_628 : i32
      %ne3A_630 = arith.cmpi ne, %sign3A_622, %sign3A_629 : i32
      %rem3A_631 = arith.remsi %rem3A_613, %jit3A_614 : i32
      %ne3A_632 = arith.constant 0 : i32
      %ne3A_633 = arith.cmpi ne, %rem3A_631, %ne3A_632 : i32
      %and3A_634 = arith.andi %ne3A_630, %ne3A_633 : i1
      %sub3A_635 = arith.constant 1 : i32
      %sub3A_636 = arith.subi %div3A_615, %sub3A_635 : i32
      %select_n3A_637 = arith.select %and3A_634, %sub3A_636, %div3A_615 : i32
      %jit3A_638 = arith.constant 4 : i32
      %eq3A_639 = arith.constant 0 : i32
      %eq3A_640 = arith.cmpi eq, %jit3A_638, %eq3A_639 : i32
      %jit3A_641 = arith.constant 1 : i32
      %select_n3A_642 = arith.select %eq3A_640, %jit3A_641, %jit3A_638 : i32
      %rem3A_643 = arith.remsi %rem3A_613, %select_n3A_642 : i32
      %ne3A_644 = arith.constant 0 : i32
      %ne3A_645 = arith.cmpi ne, %rem3A_643, %ne3A_644 : i32
      %lt3A_646 = arith.constant 0 : i32
      %lt3A_647 = arith.cmpi slt, %rem3A_643, %lt3A_646 : i32
      %lt3A_648 = arith.constant 0 : i32
      %lt3A_649 = arith.cmpi slt, %select_n3A_642, %lt3A_648 : i32
      %ne3A_650 = arith.xori %lt3A_647, %lt3A_649 : i1
      %and3A_651 = arith.andi %ne3A_650, %ne3A_645 : i1
      %add3A_652 = arith.addi %rem3A_643, %select_n3A_642 : i32
      %select_n3A_653 = arith.select %and3A_651, %add3A_652, %rem3A_643 : i32
      %mul3A_654 = arith.constant 32 : i32
      %mul3A_655 = arith.muli %select_n3A_653, %mul3A_654 : i32
      %add3A_656 = arith.addi %mul3A_2, %mul3A_655 : i32
      %dma_wait3A_657 = arith.constant 0 : i32
      %dma_wait3A_658 = tpu.memref_slice %arg3[%select_n3A_637, %add3A_656, %dma_wait3A_657] : memref<50x4096x256xf32, #tpu.memory_space<hbm>> -> memref<1x32x256xf32, #tpu.memory_space<hbm>>
      %dma_wait3A_659 = tpu.memref_squeeze %dma_wait3A_658 : memref<1x32x256xf32, #tpu.memory_space<hbm>> -> memref<32x256xf32, #tpu.memory_space<hbm>>
      %dma_wait3A_660 = arith.constant 0 : i32
      %dma_wait3A_661 = tpu.memref_slice %arg3[%select_n3A_637, %add3A_656, %dma_wait3A_660] : memref<50x4096x256xf32, #tpu.memory_space<hbm>> -> memref<1x32x256xf32, #tpu.memory_space<hbm>>
      %dma_wait3A_662 = tpu.memref_squeeze %dma_wait3A_661 : memref<1x32x256xf32, #tpu.memory_space<hbm>> -> memref<32x256xf32, #tpu.memory_space<hbm>>
      tpu.wait_dma2 semaphore(%arg8 : memref<!tpu.dma_semaphore, #tpu.memory_space<semaphore_mem>>) src(%arg6 : memref<32x256xf32, #tpu.memory_space<vmem>>) dst(%dma_wait3A_662 : memref<32x256xf32, #tpu.memory_space<hbm>>)
      %sub3A_663 = arith.constant 2 : i32
      %sub3A_664 = arith.subi %add3A_606, %sub3A_663 : i32
      %mul3A_665 = arith.constant 24 : i32
      %mul3A_666 = arith.muli %add3A, %mul3A_665 : i32
      %add3A_667 = arith.addi %sub3A_664, %mul3A_666 : i32
      %rem3A_668 = arith.constant 200 : i32
      %rem3A_669 = arith.remsi %add3A_667, %rem3A_668 : i32
      %jit3A_670 = arith.constant 4 : i32
      %div3A_671 = arith.divsi %rem3A_669, %jit3A_670 : i32
      %sign3A_672 = arith.constant 0 : i32
      %sign3A_673 = arith.cmpi sgt, %rem3A_669, %sign3A_672 : i32
      %sign3A_674 = arith.extui %sign3A_673 : i1 to i32
      %sign3A_675 = arith.constant 0 : i32
      %sign3A_676 = arith.cmpi slt, %rem3A_669, %sign3A_675 : i32
      %sign3A_677 = arith.extui %sign3A_676 : i1 to i32
      %sign3A_678 = arith.subi %sign3A_674, %sign3A_677 : i32
      %sign3A_679 = arith.constant 0 : i32
      %sign3A_680 = arith.cmpi sgt, %jit3A_670, %sign3A_679 : i32
      %sign3A_681 = arith.extui %sign3A_680 : i1 to i32
      %sign3A_682 = arith.constant 0 : i32
      %sign3A_683 = arith.cmpi slt, %jit3A_670, %sign3A_682 : i32
      %sign3A_684 = arith.extui %sign3A_683 : i1 to i32
      %sign3A_685 = arith.subi %sign3A_681, %sign3A_684 : i32
      %ne3A_686 = arith.cmpi ne, %sign3A_678, %sign3A_685 : i32
      %rem3A_687 = arith.remsi %rem3A_669, %jit3A_670 : i32
      %ne3A_688 = arith.constant 0 : i32
      %ne3A_689 = arith.cmpi ne, %rem3A_687, %ne3A_688 : i32
      %and3A_690 = arith.andi %ne3A_686, %ne3A_689 : i1
      %sub3A_691 = arith.constant 1 : i32
      %sub3A_692 = arith.subi %div3A_671, %sub3A_691 : i32
      %select_n3A_693 = arith.select %and3A_690, %sub3A_692, %div3A_671 : i32
      %jit3A_694 = arith.constant 4 : i32
      %eq3A_695 = arith.constant 0 : i32
      %eq3A_696 = arith.cmpi eq, %jit3A_694, %eq3A_695 : i32
      %jit3A_697 = arith.constant 1 : i32
      %select_n3A_698 = arith.select %eq3A_696, %jit3A_697, %jit3A_694 : i32
      %rem3A_699 = arith.remsi %rem3A_669, %select_n3A_698 : i32
      %ne3A_700 = arith.constant 0 : i32
      %ne3A_701 = arith.cmpi ne, %rem3A_699, %ne3A_700 : i32
      %lt3A_702 = arith.constant 0 : i32
      %lt3A_703 = arith.cmpi slt, %rem3A_699, %lt3A_702 : i32
      %lt3A_704 = arith.constant 0 : i32
      %lt3A_705 = arith.cmpi slt, %select_n3A_698, %lt3A_704 : i32
      %ne3A_706 = arith.xori %lt3A_703, %lt3A_705 : i1
      %and3A_707 = arith.andi %ne3A_706, %ne3A_701 : i1
      %add3A_708 = arith.addi %rem3A_699, %select_n3A_698 : i32
      %select_n3A_709 = arith.select %and3A_707, %add3A_708, %rem3A_699 : i32
      %add3A_710 = arith.constant 0 : i32
      %add3A_711 = vector.broadcast %add3A_710 : i32 to vector<16xi32>
      %add3A_712 = arith.addi %add3A_711, %iota3A : vector<16xi32>
      %mul3A_713 = arith.constant 32 : i32
      %mul3A_714 = arith.muli %select_n3A_709, %mul3A_713 : i32
      %add3A_715 = arith.constant 0 : i32
      %add3A_716 = arith.addi %mul3A_714, %add3A_715 : i32
      %get3A_717 = arith.index_cast %select_n3A_693 : i32 to index
      %get3A_718 = arith.index_cast %add3A_716 : i32 to index
      %get3A_719 = tpu.vector_load %arg4[%get3A_717, %get3A_718] {strides = array<i32>} : memref<50x128xi32, #tpu.memory_space<vmem>>, vector<16xi32>,
      tpu.vector_store_idx %arg6[%add3A_712, %get3A_719], %broadcast_in_dim3A_3 : memref<32x256xf32, #tpu.memory_space<vmem>>[vector<16xi32>, vector<16xi32>], vector<16xf32>,
      %add3A_720 = arith.constant 16 : i32
      %add3A_721 = vector.broadcast %add3A_720 : i32 to vector<16xi32>
      %add3A_722 = arith.addi %add3A_721, %iota3A : vector<16xi32>
      %mul3A_723 = arith.constant 32 : i32
      %mul3A_724 = arith.muli %select_n3A_709, %mul3A_723 : i32
      %add3A_725 = arith.constant 16 : i32
      %add3A_726 = arith.addi %mul3A_724, %add3A_725 : i32
      %get3A_727 = arith.index_cast %select_n3A_693 : i32 to index
      %get3A_728 = arith.index_cast %add3A_726 : i32 to index
      %get3A_729 = tpu.vector_load %arg4[%get3A_727, %get3A_728] {strides = array<i32>} : memref<50x128xi32, #tpu.memory_space<vmem>>, vector<16xi32>,
      tpu.vector_store_idx %arg6[%add3A_722, %get3A_729], %broadcast_in_dim3A_3 : memref<32x256xf32, #tpu.memory_space<vmem>>[vector<16xi32>, vector<16xi32>], vector<16xf32>,
      %mul3A_730 = arith.constant 24 : i32
      %mul3A_731 = arith.muli %add3A, %mul3A_730 : i32
      %add3A_732 = arith.addi %add3A_606, %mul3A_731 : i32
      %rem3A_733 = arith.constant 200 : i32
      %rem3A_734 = arith.remsi %add3A_732, %rem3A_733 : i32
      %jit3A_735 = arith.constant 4 : i32
      %div3A_736 = arith.divsi %rem3A_734, %jit3A_735 : i32
      %sign3A_737 = arith.constant 0 : i32
      %sign3A_738 = arith.cmpi sgt, %rem3A_734, %sign3A_737 : i32
      %sign3A_739 = arith.extui %sign3A_738 : i1 to i32
      %sign3A_740 = arith.constant 0 : i32
      %sign3A_741 = arith.cmpi slt, %rem3A_734, %sign3A_740 : i32
      %sign3A_742 = arith.extui %sign3A_741 : i1 to i32
      %sign3A_743 = arith.subi %sign3A_739, %sign3A_742 : i32
      %sign3A_744 = arith.constant 0 : i32
      %sign3A_745 = arith.cmpi sgt, %jit3A_735, %sign3A_744 : i32
      %sign3A_746 = arith.extui %sign3A_745 : i1 to i32
      %sign3A_747 = arith.constant 0 : i32
      %sign3A_748 = arith.cmpi slt, %jit3A_735, %sign3A_747 : i32
      %sign3A_749 = arith.extui %sign3A_748 : i1 to i32
      %sign3A_750 = arith.subi %sign3A_746, %sign3A_749 : i32
      %ne3A_751 = arith.cmpi ne, %sign3A_743, %sign3A_750 : i32
      %rem3A_752 = arith.remsi %rem3A_734, %jit3A_735 : i32
      %ne3A_753 = arith.constant 0 : i32
      %ne3A_754 = arith.cmpi ne, %rem3A_752, %ne3A_753 : i32
      %and3A_755 = arith.andi %ne3A_751, %ne3A_754 : i1
      %sub3A_756 = arith.constant 1 : i32
      %sub3A_757 = arith.subi %div3A_736, %sub3A_756 : i32
      %select_n3A_758 = arith.select %and3A_755, %sub3A_757, %div3A_736 : i32
      %jit3A_759 = arith.constant 4 : i32
      %eq3A_760 = arith.constant 0 : i32
      %eq3A_761 = arith.cmpi eq, %jit3A_759, %eq3A_760 : i32
      %jit3A_762 = arith.constant 1 : i32
      %select_n3A_763 = arith.select %eq3A_761, %jit3A_762, %jit3A_759 : i32
      %rem3A_764 = arith.remsi %rem3A_734, %select_n3A_763 : i32
      %ne3A_765 = arith.constant 0 : i32
      %ne3A_766 = arith.cmpi ne, %rem3A_764, %ne3A_765 : i32
      %lt3A_767 = arith.constant 0 : i32
      %lt3A_768 = arith.cmpi slt, %rem3A_764, %lt3A_767 : i32
      %lt3A_769 = arith.constant 0 : i32
      %lt3A_770 = arith.cmpi slt, %select_n3A_763, %lt3A_769 : i32
      %ne3A_771 = arith.xori %lt3A_768, %lt3A_770 : i1
      %and3A_772 = arith.andi %ne3A_771, %ne3A_766 : i1
      %add3A_773 = arith.addi %rem3A_764, %select_n3A_763 : i32
      %select_n3A_774 = arith.select %and3A_772, %add3A_773, %rem3A_764 : i32
      %add3A_775 = arith.constant 0 : i32
      %add3A_776 = vector.broadcast %add3A_775 : i32 to vector<16xi32>
      %add3A_777 = arith.addi %add3A_776, %iota3A : vector<16xi32>
      %mul3A_778 = arith.constant 32 : i32
      %mul3A_779 = arith.muli %select_n3A_774, %mul3A_778 : i32
      %add3A_780 = arith.constant 0 : i32
      %add3A_781 = arith.addi %mul3A_779, %add3A_780 : i32
      %get3A_782 = arith.index_cast %select_n3A_758 : i32 to index
      %get3A_783 = arith.index_cast %add3A_781 : i32 to index
      %get3A_784 = tpu.vector_load %arg4[%get3A_782, %get3A_783] {strides = array<i32>} : memref<50x128xi32, #tpu.memory_space<vmem>>, vector<16xi32>,
      tpu.vector_store_idx %arg6[%add3A_777, %get3A_784], %broadcast_in_dim3A_5 : memref<32x256xf32, #tpu.memory_space<vmem>>[vector<16xi32>, vector<16xi32>], vector<16xf32>,
      %add3A_785 = arith.constant 16 : i32
      %add3A_786 = vector.broadcast %add3A_785 : i32 to vector<16xi32>
      %add3A_787 = arith.addi %add3A_786, %iota3A : vector<16xi32>
      %mul3A_788 = arith.constant 32 : i32
      %mul3A_789 = arith.muli %select_n3A_774, %mul3A_788 : i32
      %add3A_790 = arith.constant 16 : i32
      %add3A_791 = arith.addi %mul3A_789, %add3A_790 : i32
      %get3A_792 = arith.index_cast %select_n3A_758 : i32 to index
      %get3A_793 = arith.index_cast %add3A_791 : i32 to index
      %get3A_794 = tpu.vector_load %arg4[%get3A_792, %get3A_793] {strides = array<i32>} : memref<50x128xi32, #tpu.memory_space<vmem>>, vector<16xi32>,
      tpu.vector_store_idx %arg6[%add3A_787, %get3A_794], %broadcast_in_dim3A_5 : memref<32x256xf32, #tpu.memory_space<vmem>>[vector<16xi32>, vector<16xi32>], vector<16xf32>,
      %mul3A_795 = arith.constant 24 : i32
      %mul3A_796 = arith.muli %add3A, %mul3A_795 : i32
      %add3A_797 = arith.addi %add3A_606, %mul3A_796 : i32
      %rem3A_798 = arith.constant 200 : i32
      %rem3A_799 = arith.remsi %add3A_797, %rem3A_798 : i32
      %jit3A_800 = arith.constant 4 : i32
      %div3A_801 = arith.divsi %rem3A_799, %jit3A_800 : i32
      %sign3A_802 = arith.constant 0 : i32
      %sign3A_803 = arith.cmpi sgt, %rem3A_799, %sign3A_802 : i32
      %sign3A_804 = arith.extui %sign3A_803 : i1 to i32
      %sign3A_805 = arith.constant 0 : i32
      %sign3A_806 = arith.cmpi slt, %rem3A_799, %sign3A_805 : i32
      %sign3A_807 = arith.extui %sign3A_806 : i1 to i32
      %sign3A_808 = arith.subi %sign3A_804, %sign3A_807 : i32
      %sign3A_809 = arith.constant 0 : i32
      %sign3A_810 = arith.cmpi sgt, %jit3A_800, %sign3A_809 : i32
      %sign3A_811 = arith.extui %sign3A_810 : i1 to i32
      %sign3A_812 = arith.constant 0 : i32
      %sign3A_813 = arith.cmpi slt, %jit3A_800, %sign3A_812 : i32
      %sign3A_814 = arith.extui %sign3A_813 : i1 to i32
      %sign3A_815 = arith.subi %sign3A_811, %sign3A_814 : i32
      %ne3A_816 = arith.cmpi ne, %sign3A_808, %sign3A_815 : i32
      %rem3A_817 = arith.remsi %rem3A_799, %jit3A_800 : i32
      %ne3A_818 = arith.constant 0 : i32
      %ne3A_819 = arith.cmpi ne, %rem3A_817, %ne3A_818 : i32
      %and3A_820 = arith.andi %ne3A_816, %ne3A_819 : i1
      %sub3A_821 = arith.constant 1 : i32
      %sub3A_822 = arith.subi %div3A_801, %sub3A_821 : i32
      %select_n3A_823 = arith.select %and3A_820, %sub3A_822, %div3A_801 : i32
      %jit3A_824 = arith.constant 4 : i32
      %eq3A_825 = arith.constant 0 : i32
      %eq3A_826 = arith.cmpi eq, %jit3A_824, %eq3A_825 : i32
      %jit3A_827 = arith.constant 1 : i32
      %select_n3A_828 = arith.select %eq3A_826, %jit3A_827, %jit3A_824 : i32
      %rem3A_829 = arith.remsi %rem3A_799, %select_n3A_828 : i32
      %ne3A_830 = arith.constant 0 : i32
      %ne3A_831 = arith.cmpi ne, %rem3A_829, %ne3A_830 : i32
      %lt3A_832 = arith.constant 0 : i32
      %lt3A_833 = arith.cmpi slt, %rem3A_829, %lt3A_832 : i32
      %lt3A_834 = arith.constant 0 : i32
      %lt3A_835 = arith.cmpi slt, %select_n3A_828, %lt3A_834 : i32
      %ne3A_836 = arith.xori %lt3A_833, %lt3A_835 : i1
      %and3A_837 = arith.andi %ne3A_836, %ne3A_831 : i1
      %add3A_838 = arith.addi %rem3A_829, %select_n3A_828 : i32
      %select_n3A_839 = arith.select %and3A_837, %add3A_838, %rem3A_829 : i32
      %mul3A_840 = arith.constant 32 : i32
      %mul3A_841 = arith.muli %select_n3A_839, %mul3A_840 : i32
      %add3A_842 = arith.addi %mul3A_2, %mul3A_841 : i32
      %dma_start3A_843 = arith.constant 0 : i32
      %dma_start3A_844 = tpu.memref_slice %arg3[%select_n3A_823, %add3A_842, %dma_start3A_843] : memref<50x4096x256xf32, #tpu.memory_space<hbm>> -> memref<1x32x256xf32, #tpu.memory_space<hbm>>
      %dma_start3A_845 = tpu.memref_squeeze %dma_start3A_844 : memref<1x32x256xf32, #tpu.memory_space<hbm>> -> memref<32x256xf32, #tpu.memory_space<hbm>>
      %dma_start3A_846 = arith.constant 0 : i32
      %dma_start3A_847 = tpu.memref_slice %arg3[%select_n3A_823, %add3A_842, %dma_start3A_846] : memref<50x4096x256xf32, #tpu.memory_space<hbm>> -> memref<1x32x256xf32, #tpu.memory_space<hbm>>
      %dma_start3A_848 = tpu.memref_squeeze %dma_start3A_847 : memref<1x32x256xf32, #tpu.memory_space<hbm>> -> memref<32x256xf32, #tpu.memory_space<hbm>>
      tpu.enqueue_dma source(%arg6 : memref<32x256xf32, #tpu.memory_space<vmem>>) target(%dma_start3A_848 : memref<32x256xf32, #tpu.memory_space<hbm>>) target_semaphore(%arg8 : memref<!tpu.dma_semaphore, #tpu.memory_space<semaphore_mem>>)
    }
    %scan3A_246 = arith.constant 99 : i32
    %mul3A_247 = arith.constant 24 : i32
    %mul3A_248 = arith.muli %add3A, %mul3A_247 : i32
    %add3A_249 = arith.constant 198 : i32
    %add3A_250 = arith.addi %add3A_249, %mul3A_248 : i32
    %rem3A_251 = arith.constant 200 : i32
    %rem3A_252 = arith.remsi %add3A_250, %rem3A_251 : i32
    %jit3A_253 = arith.constant 4 : i32
    %div3A_254 = arith.divsi %rem3A_252, %jit3A_253 : i32
    %sign3A_255 = arith.constant 0 : i32
    %sign3A_256 = arith.cmpi sgt, %rem3A_252, %sign3A_255 : i32
    %sign3A_257 = arith.extui %sign3A_256 : i1 to i32
    %sign3A_258 = arith.constant 0 : i32
    %sign3A_259 = arith.cmpi slt, %rem3A_252, %sign3A_258 : i32
    %sign3A_260 = arith.extui %sign3A_259 : i1 to i32
    %sign3A_261 = arith.subi %sign3A_257, %sign3A_260 : i32
    %sign3A_262 = arith.constant 0 : i32
    %sign3A_263 = arith.cmpi sgt, %jit3A_253, %sign3A_262 : i32
    %sign3A_264 = arith.extui %sign3A_263 : i1 to i32
    %sign3A_265 = arith.constant 0 : i32
    %sign3A_266 = arith.cmpi slt, %jit3A_253, %sign3A_265 : i32
    %sign3A_267 = arith.extui %sign3A_266 : i1 to i32
    %sign3A_268 = arith.subi %sign3A_264, %sign3A_267 : i32
    %ne3A_269 = arith.cmpi ne, %sign3A_261, %sign3A_268 : i32
    %rem3A_270 = arith.remsi %rem3A_252, %jit3A_253 : i32
    %ne3A_271 = arith.constant 0 : i32
    %ne3A_272 = arith.cmpi ne, %rem3A_270, %ne3A_271 : i32
    %and3A_273 = arith.andi %ne3A_269, %ne3A_272 : i1
    %sub3A_274 = arith.constant 1 : i32
    %sub3A_275 = arith.subi %div3A_254, %sub3A_274 : i32
    %select_n3A_276 = arith.select %and3A_273, %sub3A_275, %div3A_254 : i32
    %jit3A_277 = arith.constant 4 : i32
    %eq3A_278 = arith.constant 0 : i32
    %eq3A_279 = arith.cmpi eq, %jit3A_277, %eq3A_278 : i32
    %jit3A_280 = arith.constant 1 : i32
    %select_n3A_281 = arith.select %eq3A_279, %jit3A_280, %jit3A_277 : i32
    %rem3A_282 = arith.remsi %rem3A_252, %select_n3A_281 : i32
    %ne3A_283 = arith.constant 0 : i32
    %ne3A_284 = arith.cmpi ne, %rem3A_282, %ne3A_283 : i32
    %lt3A_285 = arith.constant 0 : i32
    %lt3A_286 = arith.cmpi slt, %rem3A_282, %lt3A_285 : i32
    %lt3A_287 = arith.constant 0 : i32
    %lt3A_288 = arith.cmpi slt, %select_n3A_281, %lt3A_287 : i32
    %ne3A_289 = arith.xori %lt3A_286, %lt3A_288 : i1
    %and3A_290 = arith.andi %ne3A_289, %ne3A_284 : i1
    %add3A_291 = arith.addi %rem3A_282, %select_n3A_281 : i32
    %select_n3A_292 = arith.select %and3A_290, %add3A_291, %rem3A_282 : i32
    %mul3A_293 = arith.constant 32 : i32
    %mul3A_294 = arith.muli %select_n3A_292, %mul3A_293 : i32
    %add3A_295 = arith.addi %mul3A_2, %mul3A_294 : i32
    %dma_wait3A = arith.constant 0 : i32
    %dma_wait3A_296 = tpu.memref_slice %arg3[%select_n3A_276, %add3A_295, %dma_wait3A] : memref<50x4096x256xf32, #tpu.memory_space<hbm>> -> memref<1x32x256xf32, #tpu.memory_space<hbm>>
    %dma_wait3A_297 = tpu.memref_squeeze %dma_wait3A_296 : memref<1x32x256xf32, #tpu.memory_space<hbm>> -> memref<32x256xf32, #tpu.memory_space<hbm>>
    %dma_wait3A_298 = arith.constant 0 : i32
    %dma_wait3A_299 = tpu.memref_slice %arg3[%select_n3A_276, %add3A_295, %dma_wait3A_298] : memref<50x4096x256xf32, #tpu.memory_space<hbm>> -> memref<1x32x256xf32, #tpu.memory_space<hbm>>
    %dma_wait3A_300 = tpu.memref_squeeze %dma_wait3A_299 : memref<1x32x256xf32, #tpu.memory_space<hbm>> -> memref<32x256xf32, #tpu.memory_space<hbm>>
    tpu.wait_dma2 semaphore(%arg7 : memref<!tpu.dma_semaphore, #tpu.memory_space<semaphore_mem>>) src(%arg5 : memref<32x256xf32, #tpu.memory_space<vmem>>) dst(%dma_wait3A_300 : memref<32x256xf32, #tpu.memory_space<hbm>>)
    %mul3A_301 = arith.constant 24 : i32
    %mul3A_302 = arith.muli %add3A, %mul3A_301 : i32
    %add3A_303 = arith.constant 199 : i32
    %add3A_304 = arith.addi %add3A_303, %mul3A_302 : i32
    %rem3A_305 = arith.constant 200 : i32
    %rem3A_306 = arith.remsi %add3A_304, %rem3A_305 : i32
    %jit3A_307 = arith.constant 4 : i32
    %div3A_308 = arith.divsi %rem3A_306, %jit3A_307 : i32
    %sign3A_309 = arith.constant 0 : i32
    %sign3A_310 = arith.cmpi sgt, %rem3A_306, %sign3A_309 : i32
    %sign3A_311 = arith.extui %sign3A_310 : i1 to i32
    %sign3A_312 = arith.constant 0 : i32
    %sign3A_313 = arith.cmpi slt, %rem3A_306, %sign3A_312 : i32
    %sign3A_314 = arith.extui %sign3A_313 : i1 to i32
    %sign3A_315 = arith.subi %sign3A_311, %sign3A_314 : i32
    %sign3A_316 = arith.constant 0 : i32
    %sign3A_317 = arith.cmpi sgt, %jit3A_307, %sign3A_316 : i32
    %sign3A_318 = arith.extui %sign3A_317 : i1 to i32
    %sign3A_319 = arith.constant 0 : i32
    %sign3A_320 = arith.cmpi slt, %jit3A_307, %sign3A_319 : i32
    %sign3A_321 = arith.extui %sign3A_320 : i1 to i32
    %sign3A_322 = arith.subi %sign3A_318, %sign3A_321 : i32
    %ne3A_323 = arith.cmpi ne, %sign3A_315, %sign3A_322 : i32
    %rem3A_324 = arith.remsi %rem3A_306, %jit3A_307 : i32
    %ne3A_325 = arith.constant 0 : i32
    %ne3A_326 = arith.cmpi ne, %rem3A_324, %ne3A_325 : i32
    %and3A_327 = arith.andi %ne3A_323, %ne3A_326 : i1
    %sub3A_328 = arith.constant 1 : i32
    %sub3A_329 = arith.subi %div3A_308, %sub3A_328 : i32
    %select_n3A_330 = arith.select %and3A_327, %sub3A_329, %div3A_308 : i32
    %jit3A_331 = arith.constant 4 : i32
    %eq3A_332 = arith.constant 0 : i32
    %eq3A_333 = arith.cmpi eq, %jit3A_331, %eq3A_332 : i32
    %jit3A_334 = arith.constant 1 : i32
    %select_n3A_335 = arith.select %eq3A_333, %jit3A_334, %jit3A_331 : i32
    %rem3A_336 = arith.remsi %rem3A_306, %select_n3A_335 : i32
    %ne3A_337 = arith.constant 0 : i32
    %ne3A_338 = arith.cmpi ne, %rem3A_336, %ne3A_337 : i32
    %lt3A_339 = arith.constant 0 : i32
    %lt3A_340 = arith.cmpi slt, %rem3A_336, %lt3A_339 : i32
    %lt3A_341 = arith.constant 0 : i32
    %lt3A_342 = arith.cmpi slt, %select_n3A_335, %lt3A_341 : i32
    %ne3A_343 = arith.xori %lt3A_340, %lt3A_342 : i1
    %and3A_344 = arith.andi %ne3A_343, %ne3A_338 : i1
    %add3A_345 = arith.addi %rem3A_336, %select_n3A_335 : i32
    %select_n3A_346 = arith.select %and3A_344, %add3A_345, %rem3A_336 : i32
    %mul3A_347 = arith.constant 32 : i32
    %mul3A_348 = arith.muli %select_n3A_346, %mul3A_347 : i32
    %add3A_349 = arith.addi %mul3A_2, %mul3A_348 : i32
    %dma_wait3A_350 = arith.constant 0 : i32
    %dma_wait3A_351 = tpu.memref_slice %arg3[%select_n3A_330, %add3A_349, %dma_wait3A_350] : memref<50x4096x256xf32, #tpu.memory_space<hbm>> -> memref<1x32x256xf32, #tpu.memory_space<hbm>>
    %dma_wait3A_352 = tpu.memref_squeeze %dma_wait3A_351 : memref<1x32x256xf32, #tpu.memory_space<hbm>> -> memref<32x256xf32, #tpu.memory_space<hbm>>
    %dma_wait3A_353 = arith.constant 0 : i32
    %dma_wait3A_354 = tpu.memref_slice %arg3[%select_n3A_330, %add3A_349, %dma_wait3A_353] : memref<50x4096x256xf32, #tpu.memory_space<hbm>> -> memref<1x32x256xf32, #tpu.memory_space<hbm>>
    %dma_wait3A_355 = tpu.memref_squeeze %dma_wait3A_354 : memref<1x32x256xf32, #tpu.memory_space<hbm>> -> memref<32x256xf32, #tpu.memory_space<hbm>>
    tpu.wait_dma2 semaphore(%arg8 : memref<!tpu.dma_semaphore, #tpu.memory_space<semaphore_mem>>) src(%arg6 : memref<32x256xf32, #tpu.memory_space<vmem>>) dst(%dma_wait3A_355 : memref<32x256xf32, #tpu.memory_space<hbm>>)
    return
  }
}

</mosaic_0001>

<sc_bundles>
// kernel: kernel.3.cloned.1.call-start
scs
__scs_entry_jumppad:
0x0: {  	(pc) =	sbr.rel $0x88, $3  }
0x1: {  	(tag) =	ssettag $0x0;
	lr =	simm.s32 $0x1  }
0x2: {  	[smem:$0x3FA0] =	sst lr;
	_ =	strace $0xD0000000  }
0x3: {  	_ = 	snop  }
0x4: {  	_ = 	snop  }
0x5: {  	_ = 	snop  }
0x6: {  	_ = 	snop  }
0x7: {  	_ = 	snop  }
__scs_overlays_trampoline_lowered:
0x8: {  	[smem:$0x3FAF] =	sst s0  }
0x9: {  	[smem:$0x3FB0] =	sst s1  }
0xa: {  	[smem:$0x3FB1] =	sst s2  }
0xb: {  	[smem:$0x3FB2] =	sst s3  }
0xc: {  	[smem:$0x3FB3] =	sst s4  }
0xd: {  	[smem:$0x3FB4] =	sst s5  }
0xe: {  	[smem:$0x3FB5] =	sst s6  }
0xf: {  	[smem:$0x3FB6] =	sst s7  }
0x10: {  	[smem:$0x3FB7] =	sst s8  }
0x11: {  	[smem:$0x3FB8] =	sst s9;
	s0 =	simm.s32 @!p0 $0x0  }
0x12: {  	s1 =	sld [smem:$0x3F9E];
	s0 =	simm.s32 @p0 $0x1  }
0x13: {  	[smem:$0x3FB9] =	sst s0;
	s0 =	simm.s32 @!p1 $0x0  }
0x14: {  	s2 =	sld [smem:$0x3F9D];
	s0 =	simm.s32 @p1 $0x1  }
0x15: {  	[smem:$0x3FBA] =	sst s0;
	s0 =	simm.s32 @!p2 $0x0  }
0x16: {  	s3 =	sld [smem:$0x3FDB];
	s0 =	simm.s32 @p2 $0x1  }
0x17: {  	s4 =	simm.s32 $0x1BF5;
	[smem:$0x3FBC] =	sst s0  }
0x18: {  	s0 =	sld [smem:$0x3F9F];
	_ =	swait.ge [sflag:s4], $0x0  }
0x19: {  	s7 =	sld [smem:$0x3FA0]  }
0x1a: {  	s8 =	sadd.s32 $0xFFFFE003, lr  }
0x1b: {  	s9 =	sadd.s32 $0xFFFFFEF7, lr;
	s5 =	simm.s32 $0xFFFFFFFF;
	p2 =	slt.u32 s8, $0xFFFFF086  }
0x1c: {  	p1 =	slt.u32 s9, $0xF7A;
	s5 =	simm.s32 @!p2 $0x0  }
0x1d: {  	s5 =	simm.s32 @p1 $0x1;
	p0 =	seq.s32 s7, s2  }
0x1e: {  	s7 =	smul.u32 @!p0 $0xF7A, s2;
	p2 =	seq.s32 @!p0 s5, $0x0  }
0x1f: {  	s9 =	smul.u32 $0xF7A, s1;
	s8 =	simm.s32 @!p0 $0x1BF5;
	p2 =	por !p2, p0  }
0x20: {  	[sflag:s8] =	ssyncset.s32 @!p0 $0xFFFFF086;
	s6 =	sadd.s32 @!p0 s3, s7;
	s7 =	simm.s32 @!p0 $0x108  }
0x21: {  	s3 =	sadd.s32 s3, s9;
	s6 =	sadd.s32 @!p0 $0x88, s6;
	s7 =	simm.s32 @p2 $0x1082  }
0x22: {  	[simem:s7], [sflag:s8] =	dma.local @!p0 [hbm:s6], $0xF7A  }
0x23: {  	s9 =	sor.u32 $0xD0000000, s2;
	s6 =	simm.s32 $0x108;
	_ =	swait.ge @!p0 [sflag:s8], $0x0  }
0x24: {  	s3 =	sadd.s32 $0x88, s3;
	s6 =	simm.s32 @!p1 $0x1082;
	[sflag:s4] =	ssyncset.s32 $0xFFFFF086  }
0x25: {  	[simem:s6], [sflag:s4] =	dma.local [hbm:s3], $0xF7A  }
0x26: {  	[smem:$0x3FA0] =	sst s1;
	(tag) =	ssettag s2;
	_ =	strace s9  }
0x27: {  	s1 =	sld [smem:$0x3FB0]  }
0x28: {  	s2 =	sld [smem:$0x3FB1]  }
0x29: {  	s4 =	sld [smem:$0x3FB3]  }
0x2a: {  	p0 =	seq.s32 s5, $0x0;
	s5 =	sld [smem:$0x3FB4]  }
0x2b: {  	s6 =	sld [smem:$0x3FB5]  }
0x2c: {  	s7 =	sld [smem:$0x3FB6]  }
0x2d: {  	s3 =	simm.s32 $0x108;
	s8 =	sld [smem:$0x3FB7]  }
0x2e: {  	s3 =	simm.s32 @!p0 $0x1082;
	s9 =	sld [smem:$0x3FB8]  }
0x2f: {  	lr =	sadd.s32 s0, s3;
	s0 =	sld [smem:$0x3FAF]  }
0x30: {  	s3 =	sld [smem:$0x3FB2]  }
0x31: {  	[smem:$0x3FBB] =	sst s10  }
0x32: {  	s10 =	sld [smem:$0x3FB9];
	_ =	sdelay $0x3  }
0x33: {  	p0 =	seq.s32 s10, $0x1;
	s10 =	sld [smem:$0x3FBB];
	_ =	sdelay $0x3  }
0x34: {  	[smem:$0x3FBB] =	sst s10  }
0x35: {  	s10 =	sld [smem:$0x3FBA];
	_ =	sdelay $0x3  }
0x36: {  	p1 =	seq.s32 s10, $0x1;
	s10 =	sld [smem:$0x3FBB];
	_ =	sdelay $0x3  }
0x37: {  	[smem:$0x3FBB] =	sst s10  }
0x38: {  	s10 =	sld [smem:$0x3FBC]  }
0x39: {  	_ = 	snop;
	(pc) =	sbr.ind lr, $3  }
0x3a: {  	_ = 	snop  }
0x3b: {  	_ = 	snop  }
0x3c: {  	p2 =	seq.s32 s10, $0x1;
	s10 =	sld [smem:$0x3FBB]  }
0x3d: {  	_ =	shalt  }
0x3e: {  	_ =	shalt  }
0x3f: {  	_ =	shalt  }
0x40: {  	_ =	shalt  }
0x41: {  	_ =	shalt  }
0x42: {  	_ =	shalt  }
0x43: {  	_ =	shalt  }
0x44: {  	_ =	shalt  }
0x45: {  	_ =	shalt  }
0x46: {  	_ =	shalt  }
0x47: {  	_ =	shalt  }
0x48: {  	_ =	shalt  }
0x49: {  	_ =	shalt  }
0x4a: {  	_ =	shalt  }
0x4b: {  	_ =	shalt  }
0x4c: {  	_ =	shalt  }
0x4d: {  	_ =	shalt  }
0x4e: {  	_ =	shalt  }
0x4f: {  	_ =	shalt  }
0x50: {  	_ =	shalt  }
0x51: {  	_ =	shalt  }
0x52: {  	_ =	shalt  }
0x53: {  	_ =	shalt  }
0x54: {  	_ =	shalt  }
0x55: {  	_ =	shalt  }
0x56: {  	_ =	shalt  }
0x57: {  	_ =	shalt  }
0x58: {  	_ =	shalt  }
0x59: {  	_ =	shalt  }
0x5a: {  	_ =	shalt  }
0x5b: {  	_ =	shalt  }
0x5c: {  	_ =	shalt  }
0x5d: {  	_ =	shalt  }
0x5e: {  	_ =	shalt  }
0x5f: {  	_ =	shalt  }
0x60: {  	_ =	shalt  }
0x61: {  	_ =	shalt  }
0x62: {  	_ =	shalt  }
0x63: {  	_ =	shalt  }
0x64: {  	_ =	shalt  }
0x65: {  	_ =	shalt  }
0x66: {  	_ =	shalt  }
0x67: {  	_ =	shalt  }
0x68: {  	_ =	shalt  }
0x69: {  	_ =	shalt  }
0x6a: {  	_ =	shalt  }
0x6b: {  	_ =	shalt  }
0x6c: {  	_ =	shalt  }
0x6d: {  	_ =	shalt  }
0x6e: {  	_ =	shalt  }
0x6f: {  	_ =	shalt  }
0x70: {  	_ =	shalt  }
0x71: {  	_ =	shalt  }
0x72: {  	_ =	shalt  }
0x73: {  	_ =	shalt  }
0x74: {  	_ =	shalt  }
0x75: {  	_ =	shalt  }
0x76: {  	_ =	shalt  }
0x77: {  	_ =	shalt  }
0x78: {  	_ =	shalt  }
0x79: {  	_ =	shalt  }
0x7a: {  	_ =	shalt  }
0x7b: {  	_ =	shalt  }
0x7c: {  	_ =	shalt  }
0x7d: {  	_ =	shalt  }
0x7e: {  	_ =	shalt  }
0x7f: {  	_ =	shalt  }
0x80: {  	_ =	shalt  }
0x81: {  	_ =	shalt  }
0x82: {  	_ =	shalt  }
0x83: {  	_ =	shalt  }
0x84: {  	_ =	shalt  }
0x85: {  	_ =	shalt  }
0x86: {  	_ =	shalt  }
0x87: {  	_ =	shalt  }
.Lfunc_end0:
.L_simem_size_0:
called_computation_lowered:
.L_overlay_start_0:
0x88: {  	s2 =	sld [smem:$0x3FD9]  }
0x89: {  	s3 =	sld [smem:$0x3FFE];
	_ =	sdelay $0x1  }
0x8a: {  	s1 =	srdreg.scid  }
0x8b: {  	s0 =	sand.u32 $0x1, s1  }
0x8c: {  	s18 =	sshll.u32 s0, $0xA;
	s2 =	sadd.s32 s3, s2  }
0x8d: {  	s2 =	sadd.s32 s2, s18  }
0x8e: {  	[smem:$0x3FC7] =	sst s2  }
0x8f: {  	_ = 	snop  }
0x90: {  	s2 =	sld [smem:$0x3FC9]  }
0x91: {  	s19 =	sld [smem:$0x3FD0];
	(tm) =	ssettm $0x1  }
0x92: {  	s4 =	sld [smem:$0x3FFB];
	_ =	sdelay $0x3  }
0x93: {  	_ =	strace s4  }
0x94: {  	s4 =	sld [smem:$0x3FFC];
	_ =	sdelay $0x3  }
0x95: {  	_ =	strace s4  }
0x96: {  	s4 =	sld [smem:$0x3FFD];
	_ =	sdelay $0x3  }
0x97: {  	_ =	strace s4  }
0x98: {  	_ =	strace $0x8FFFFFFF  }
0x99: {  	s20 =	sld [smem:$0x3FDB];
	_ =	sdelay $0x1  }
0x9a: {  	s5 =	simm.s32 $_scs_section_size  }
0x9b: {  	s6 =	simm.s32 $_size__tile_overlayer_lowered;
	s7 =	simm.s32 $_tile_overlayer_lowered  }
0x9c: {  	s23 =	simm.s32 $0x1BFF;
	s22 =	sshll.u32 s7, $0x1;
	s4 =	sadd.s32 s5, s20  }
0x9d: {  	s8 =	simm.s32 $0x0;
	s21 =	sshll.u32 s6, $0x1;
	s6 =	sadd.s32 s22, s4  }
0x9e: {  	[timem:s8], [sflag:s23] =	dma.local [hbm:s6], s21  }
0x9f: {  	_ =	swait.ge [sflag:s23], s21  }
0xa0: {  	s5 =	ssub.s32 $0x0, s21;
	[sflag:s23] =	ssyncset.done $0x0  }
0xa1: {  	[sflag:s23] =	ssyncadd.s32 s5;
	_ =	sdelay $0x1  }
0xa2: {  	s24 =	simm.s32 $0x1B8B  }
0xa3: {  	_ =	swait.ge [sflag:s24], $0x1  }
0xa4: {  	[sflag:s24] =	ssyncset.done $0x0  }
0xa5: {  	s25 =	simm.s32 $0x1B8E;
	[sflag:s24] =	ssyncadd.s32 $0xFFFFFFFF  }
0xa6: {  	s26 =	simm.s32 $execute0_lowered;
	[smem:$0x3FD2] =	sst s25  }
0xa7: {  	s5 =	sshll.u32 s26, $0x1;
	_ =	strace $0x80000046;
	[dreg:$0x1] =	wrdreg $0xFFFFFFFF  }
0xa8: {  	s28 =	simm.s32 $_size_execute0_lowered;
	s4 =	sadd.s32 s4, s5;
	[dreg:$0x0] =	wrdreg $0x0  }
0xa9: {  	s5 =	sshll.u32 s28, $0x1;
	[dreg:$0x2] =	wrdreg s4  }
0xaa: {  	[dreg:$0x3] =	wrdreg s5  }
0xab: {  	[dreg:$0x4] =	wrdreg $0xC0  }
0xac: {  	_ =	task [dreg:s8], $0x5FFFF  }
0xad: {  	[dreg:$0x1] =	wrdreg $0xFFFFFFFF  }
0xae: {  	[dreg:$0x0] =	wrdreg $0x60  }
0xaf: {  	[dreg:$0x2] =	wrdreg s2  }
0xb0: {  	[dreg:$0x3] =	wrdreg s19  }
0xb1: {  	[dreg:$0x4] =	wrdreg $0x9  }
0xb2: {  	_ =	task.clear_ibuf [dreg:s8], $0x5FFFF;
	_ =	strace $0x90000046  }
0xb3: {  	s29 =	simm.s32 $0x9;
	_ =	strace $0x80000048  }
0xb4: {  	_ =	swait.ge [sflag:s29], $0x1  }
0xb5: {  	[sflag:s29] =	ssyncadd.s32 $0xFFFFFFFF  }
0xb6: {  	_ =	strace $0x90000048  }
0xb7: {  	_ =	sfence  }
0xb8: {  	s30 =	sld [smem:$0x0];
	_ =	sdelay $0x2  }
0xb9: {  	s31 =	sshll.u32 s1, $0xD;
	s1 =	sshrl.u32 s1, $0x2  }
0xba: {  	s3 =	sand.u32 $0x4000, s31;
	s1 =	sadd.s32 s1, s30  }
0xbb: {  	s0 =	sor.u32 s3, s0;
	s1 =	sshll.u32 s1, $0x11  }
0xbc: {  	s0 =	sor.u32 s1, s0  }
0xbd: {  	s0 =	sadd.s32 $0x8F2B, s0  }
0xbe: {  	[sflag:s0] =	ssyncadd.remote.s32 $0x1  }
0xbf: {  	_ =	sfence.sel $0xFFFF  }
0xc0: {  	[dreg:$0x0] =	wrdreg $0xFFFFFFFF;
	(pc) =	sbr.abs _section_cstart, $3  }
0xc1: {  	[dreg:$0x1] =	wrdreg $0xFFFFFFFF  }
0xc2: {  	_ =	task.clear_ibuf [dreg:s8], $0x2FFFF;
	_ =	strace $0x9FFFFFFF  }
0xc3: {  	(tm) =	ssettm $0x7FFFFFFF  }
tec
execute0_lowered:
.L_overlay_start_1:
0x0: {  	(tag) =	ssettag $0x1  }
0x1: {  	s17 =	stileid.u32  }
0x2: {  	s13 =	smul.u32 $0x30, s17  }
0x3: {  	s0 =	srdreg.scid;
	s15 =	smul.u32 $0x600, s17  }
0x4: {  	s5 =	rddreg [dreg:$0x0];
	s0 =	sand.u32 $0x1, s0;
	s30 =	smul.u32 $0x1800, s17  }
0x5: {  	s2 =	rddreg [dreg:$0x1];
	s1 =	sshll.u32 s17, $0x1;
	s14 =	smul.u32 $0x18, s0  }
0x6: {  	s3 =	simm.s32 $0x0;
	s1 =	sor.u32 s0, s1;
	s16 =	smul.u32 $0x300, s0  }
0x7: {  	v0 =	vimm.f32 $0.0e+00;
	s28 =	simm.s32 $0x0;
	[smem:$0x7FF] =	sst s3;
	s6 =	smul.u32 $0x18, s1  }
0x8: {  	v1 =	vimm.s32 $0xB80;
	vm0 =	vcmask $0x300;
	v2 =	vimm.s32 $0x1B80;
	s9 =	ssub.s32 $0x2, s0;
	_ =	strace $0x80000047;
	s4 =	smul.u32 $0x1EC0, s1  }
0x9: {  	vm1 =	vcmask $0x704;
	v1 =	vsel vm0, $0x0, v1;
	v2 =	vsel vm0, $0x1000, v2;
	s31 =	smul.u32 $0xC00, s0;
	s22 =	sshrl.u32 s9, $0x1;
	s7 =	sor.u32 $0x1, s6  }
0xa: {  	vm15 =	vcmask $0xB08;
	v1 =	vsel vm1, $0x80, v1;
	v2 =	vsel vm1, $0x1080, v2;
	s12 =	ssub.s32 s9, s22;
	s4 =	sshrl.u32 s4, $0x10;
	s8 =	smul.u32 $0x148, s7  }
0xb: {  	vm4 =	vcmask $0xF0C;
	v1 =	vsel vm15, $0x100, v1;
	v2 =	vsel vm15, $0x1100, v2;
	s22 =	simm.s32 $0x3;
	s10 =	smul.u32 $0xC8, s4;
	s4 =	sshll.u32 s1, $0x7  }
0xc: {  	vm5 =	vcmask $0x1310;
	v1 =	vsel vm4, $0x180, v1;
	v2 =	vsel vm4, $0x1180, v2;
	s1 =	sshll.u32 s1, $0xF;
	s5 =	sadd.s32 s5, s4;
	s21 =	sshrl.u32 s8, $0x10  }
0xd: {  	vm6 =	vcmask $0x1714;
	v1 =	vsel vm5, $0x200, v1;
	v2 =	vsel vm5, $0x1200, v2;
	s23 =	ssub.s32 s6, s10;
	[dreg:$0x3] =	wrdreg s5;
	s5 =	sadd.s32 $0x6000, s5  }
0xe: {  	vm7 =	vcmask $0x1B18;
	v1 =	vsel vm6, $0x280, v1;
	v2 =	vsel vm6, $0x1280, v2;
	s11 =	smul.u32 $0xC8, s21;
	[dreg:$0x4] =	wrdreg s5;
	s8 =	sshll.u32 s23, $0x12  }
0xf: {  	vm8 =	vcmask $0x1F1C;
	v1 =	vsel vm7, $0x300, v1;
	v2 =	vsel vm7, $0x1300, v2;
	s24 =	sand.u32 $0xFFF8, s23;
	s23 =	simm.s32 $0x1C00;
	s8 =	sor.u32 s1, s8  }
0x10: {  	vm9 =	vcmask $0x2320;
	v1 =	vsel vm8, $0x380, v1;
	v2 =	vsel vm8, $0x1380, v2;
	s7 =	ssub.s32 s7, s11;
	s8 =	sshrl.u32 s8, $0x3;
	s11 =	smax.u32 s12, $0x1  }
0x11: {  	vm10 =	vcmask $0x2724;
	v1 =	vsel vm9, $0x800, v1;
	v2 =	vsel vm9, $0x1800, v2;
	s12 =	sadd.s32 s14, s13;
	s14 =	sadd.s32 s16, s15;
	s25 =	sand.u32 $0xFFF8, s7  }
0x12: {  	vm11 =	vcmask $0x2B28;
	v1 =	vsel vm10, $0x880, v1;
	v2 =	vsel vm10, $0x1880, v2;
	s7 =	sshll.u32 s24, $0x5;
	s29 =	sadd.s32 s2, s8;
	s26 =	sshrl.u32 s25, $0x2  }
0x13: {  	vm12 =	vcmask $0x2F2C;
	v1 =	vsel vm11, $0x900, v1;
	v2 =	vsel vm11, $0x1900, v2;
	s20 =	sor.u32 $0x3, s12;
	s0 =	sor.u32 $0x1, s12;
	s10 =	sshll.u32 s26, $0x14  }
0x14: {  	vm13 =	vcmask $0x3330;
	s18 =	sor.u32 $0x2, s12;
	v1 =	vsel vm12, $0x980, v1;
	v2 =	vsel vm12, $0x1980, v2;
	s24 =	simm.s32 $0x3C00;
	s1 =	sor.u32 s10, s1  }
0x15: {  	vm14 =	vcmask $0x3734;
	[dreg:$0x5] =	wrdreg s29;
	s19 =	sshll.u32 s0, $0x7;
	v1 =	vsel vm13, $0xA00, v1;
	v2 =	vsel vm13, $0x1A00, v2;
	s1 =	sor.u32 $0x2000, s1  }
0x16: {  	vm15 =	vcmask $0x3B38;
	s25 =	simm.s32 $0x1;
	s9 =	sshll.u32 s26, $0x7;
	v1 =	vsel vm14, $0xA80, v1;
	v3 =	vsel vm14, $0x1A80, v2;
	s1 =	sshrl.u32 s1, $0x3  }
0x17: {  	v2 =	vimm.f32 $1.000000000e+00;
	s26 =	simm.s32 $0x2;
	v1 =	vsel vm15, $0xB00, v1;
	v3 =	vsel vm15, $0x1B00, v3;
	s10 =	sadd.s32 s2, s1;
	s1 =	sadd.s32 s31, s30  }
.LBB2_1:
0x18: {  	s5 =	rddreg [dreg:$0x3];
	s6 =	simm.s32 $0x400;
	s8 =	simm.s32 $0x8000  }
0x19: {  	[tilespmem:s3], [sflag:$0x3] =	stream.strided.gather [hbm4b:s5+s6], $0x1800, s8, s6, $0x38;
	[tilespmem:$0x5C00] =	vst v63  }
0x1a: {  	s30 =	rddreg [dreg:$0x4];
	s31 =	simm.s32 $0x1800  }
0x1b: {  	[tilespmem:s31], [sflag:$0x3] =	stream.linear.gather [hbm4b:s30+s3], $0x100, $0x38;
	[tilespmem:$0x5C00] =	vst v63  }
0x1c: {  	_ =	swait.ge [sflag:s22], $0x1900  }
0x1d: {  	s13 =	sand.u32 $0x1800, s3;
	s15 =	sand.u32 $0x380, s3;
	[sflag:s22] =	ssyncset.done $0x0  }
0x1e: {  	s13 =	sor.u32 s15, s13;
	[sflag:s22] =	ssyncadd.s32 $0xFFFFE700  }
0x1f: {  	[tilespmem:s13+$0x4070] =	vst v0  }
0x20: {  	[tilespmem:s13+$0x1C00] =	vst v0  }
0x21: {  	[tilespmem:s13+$0x1C10] =	vst v0  }
0x22: {  	[tilespmem:s13+$0x1C20] =	vst v0  }
0x23: {  	[tilespmem:s13+$0x1C30] =	vst v0  }
0x24: {  	[tilespmem:s13+$0x1C40] =	vst v0  }
0x25: {  	[tilespmem:s13+$0x1C50] =	vst v0  }
0x26: {  	[tilespmem:s13+$0x1C60] =	vst v0  }
0x27: {  	[tilespmem:s13+$0x1C70] =	vst v0  }
0x28: {  	[tilespmem:s13+$0x2000] =	vst v0  }
0x29: {  	[tilespmem:s13+$0x2010] =	vst v0  }
0x2a: {  	[tilespmem:s13+$0x2020] =	vst v0  }
0x2b: {  	[tilespmem:s13+$0x2030] =	vst v0  }
0x2c: {  	[tilespmem:s13+$0x2040] =	vst v0  }
0x2d: {  	[tilespmem:s13+$0x2050] =	vst v0  }
0x2e: {  	[tilespmem:s13+$0x2060] =	vst v0  }
0x2f: {  	[tilespmem:s13+$0x2070] =	vst v0  }
0x30: {  	[tilespmem:s13+$0x3C00] =	vst v0  }
0x31: {  	[tilespmem:s13+$0x3C10] =	vst v0  }
0x32: {  	[tilespmem:s13+$0x3C20] =	vst v0  }
0x33: {  	[tilespmem:s13+$0x3C30] =	vst v0  }
0x34: {  	[tilespmem:s13+$0x3C40] =	vst v0  }
0x35: {  	[tilespmem:s13+$0x3C50] =	vst v0  }
0x36: {  	[tilespmem:s13+$0x3C60] =	vst v0  }
0x37: {  	[tilespmem:s13+$0x3C70] =	vst v0  }
0x38: {  	[tilespmem:s13+$0x4000] =	vst v0  }
0x39: {  	[tilespmem:s13+$0x4010] =	vst v0  }
0x3a: {  	[tilespmem:s13+$0x4020] =	vst v0  }
0x3b: {  	[tilespmem:s13+$0x4030] =	vst v0  }
0x3c: {  	s16 =	simm.s32 $0x100;
	s15 =	simm.s32 $0x80;
	[tilespmem:s13+$0x4040] =	vst v0  }
0x3d: {  	s17 =	sand.u32 $0x1800, s16;
	s16 =	simm.s32 $0x200;
	s29 =	sand.u32 $0x380, s15;
	[tilespmem:s13+$0x4050] =	vst v0  }
.LBB2_2:
0x3e: {  	p0 =	sne.s32 s16, $0x1F00;
	[tilespmem:s13+$0x4060] =	vst v0;
	s13 =	sor.u32 s29, s17  }
0x3f: {  	[tilespmem:s13+$0x4070] =	vst v0  }
0x40: {  	[tilespmem:s13+$0x1C00] =	vst v0  }
0x41: {  	[tilespmem:s13+$0x1C10] =	vst v0  }
0x42: {  	[tilespmem:s13+$0x1C20] =	vst v0  }
0x43: {  	[tilespmem:s13+$0x1C30] =	vst v0  }
0x44: {  	[tilespmem:s13+$0x1C40] =	vst v0  }
0x45: {  	[tilespmem:s13+$0x1C50] =	vst v0  }
0x46: {  	[tilespmem:s13+$0x1C60] =	vst v0  }
0x47: {  	[tilespmem:s13+$0x1C70] =	vst v0  }
0x48: {  	[tilespmem:s13+$0x2000] =	vst v0  }
0x49: {  	[tilespmem:s13+$0x2010] =	vst v0  }
0x4a: {  	[tilespmem:s13+$0x2020] =	vst v0  }
0x4b: {  	[tilespmem:s13+$0x2030] =	vst v0  }
0x4c: {  	[tilespmem:s13+$0x2040] =	vst v0  }
0x4d: {  	[tilespmem:s13+$0x2050] =	vst v0  }
0x4e: {  	[tilespmem:s13+$0x2060] =	vst v0  }
0x4f: {  	[tilespmem:s13+$0x2070] =	vst v0  }
0x50: {  	[tilespmem:s13+$0x3C00] =	vst v0  }
0x51: {  	[tilespmem:s13+$0x3C10] =	vst v0  }
0x52: {  	[tilespmem:s13+$0x3C20] =	vst v0  }
0x53: {  	[tilespmem:s13+$0x3C30] =	vst v0  }
0x54: {  	[tilespmem:s13+$0x3C40] =	vst v0  }
0x55: {  	[tilespmem:s13+$0x3C50] =	vst v0  }
0x56: {  	[tilespmem:s13+$0x3C60] =	vst v0  }
0x57: {  	[tilespmem:s13+$0x3C70] =	vst v0  }
0x58: {  	[tilespmem:s13+$0x4000] =	vst v0  }
.Ltmp0:
0x59: {  	[tilespmem:s13+$0x4010] =	vst v0;
	(pc) =	sbr.rel @p0 .LBB2_2-.Ltmp0, $4  }
0x5a: {  	[tilespmem:s13+$0x4020] =	vst v0  }
0x5b: {  	[tilespmem:s13+$0x4030] =	vst v0  }
0x5c: {  	s15 =	sadd.s32 $0x80, s15;
	[tilespmem:s13+$0x4040] =	vst v0  }
0x5d: {  	s17 =	sand.u32 $0x1800, s16;
	s16 =	sadd.s32 $0x100, s16;
	s29 =	sand.u32 $0x380, s15;
	[tilespmem:s13+$0x4050] =	vst v0  }
0x5e: {  	s15 =	sor.u32 s29, s17;
	[tilespmem:s13+$0x4060] =	vst v0  }
0x5f: {  	[tilespmem:s15+$0x4070] =	vst v0  }
0x60: {  	[tilespmem:s15+$0x1C00] =	vst v0  }
0x61: {  	[tilespmem:s15+$0x1C10] =	vst v0  }
0x62: {  	[tilespmem:s15+$0x1C20] =	vst v0  }
0x63: {  	[tilespmem:s15+$0x1C30] =	vst v0  }
0x64: {  	[tilespmem:s15+$0x1C40] =	vst v0  }
0x65: {  	[tilespmem:s15+$0x1C50] =	vst v0  }
0x66: {  	[tilespmem:s15+$0x1C60] =	vst v0  }
0x67: {  	[tilespmem:s15+$0x1C70] =	vst v0  }
0x68: {  	[tilespmem:s15+$0x2000] =	vst v0  }
0x69: {  	[tilespmem:s15+$0x2010] =	vst v0  }
0x6a: {  	[tilespmem:s15+$0x2020] =	vst v0  }
0x6b: {  	[tilespmem:s15+$0x2030] =	vst v0  }
0x6c: {  	[tilespmem:s15+$0x2040] =	vst v0  }
0x6d: {  	[tilespmem:s15+$0x2050] =	vst v0  }
0x6e: {  	[tilespmem:s15+$0x2060] =	vst v0  }
0x6f: {  	[tilespmem:s15+$0x2070] =	vst v0  }
0x70: {  	[tilespmem:s15+$0x3C00] =	vst v0  }
0x71: {  	[tilespmem:s15+$0x3C10] =	vst v0  }
0x72: {  	[tilespmem:s15+$0x3C20] =	vst v0  }
0x73: {  	[tilespmem:s15+$0x3C30] =	vst v0  }
0x74: {  	[tilespmem:s15+$0x3C40] =	vst v0  }
0x75: {  	[tilespmem:s15+$0x3C50] =	vst v0  }
0x76: {  	[tilespmem:s15+$0x3C60] =	vst v0  }
0x77: {  	[tilespmem:s15+$0x3C70] =	vst v0  }
0x78: {  	[tilespmem:s15+$0x4000] =	vst v0  }
0x79: {  	[tilespmem:s15+$0x4010] =	vst v0  }
0x7a: {  	[tilespmem:s15+$0x4020] =	vst v0  }
0x7b: {  	[tilespmem:s15+$0x4030] =	vst v0  }
0x7c: {  	[tilespmem:s15+$0x4040] =	vst v0  }
0x7d: {  	[tilespmem:s15+$0x4050] =	vst v0  }
0x7e: {  	[tilespmem:s15+$0x4060] =	vst v0  }
0x7f: {  	v4 =	vld [tilespmem:s7+$0x0];
	_ =	sdelay $0x4  }
0x80: {  	v5 =	vshll.u32 v4, $0x3  }
0x81: {  	v4 =	vand.u32 $0x7F, v4;
	v5 =	vand.u32 $0xFFFFFC00, v5  }
0x82: {  	v4 =	vor.u32 v4, v5  }
0x83: {  	v4 =	vadd.s32 v1, v4;
	_ =	sdelay $0x4  }
0x84: {  	[tilespmem:v4+s23+$0x0] =	vst.idx.msk $0xffff, v2  }
0x85: {  	v4 =	vld [tilespmem:s7+$0x10];
	_ =	sdelay $0x4  }
0x86: {  	v5 =	vshll.u32 v4, $0x3  }
0x87: {  	v4 =	vand.u32 $0x7F, v4;
	v5 =	vand.u32 $0xFFFFFC00, v5  }
0x88: {  	v4 =	vor.u32 v4, v5  }
0x89: {  	v4 =	vadd.s32 v3, v4;
	_ =	sdelay $0x4  }
0x8a: {  	s29 =	simm.s32 $0x0;
	s5 =	rddreg [dreg:$0x5];
	[tilespmem:v4+s23+$0x0] =	vst.idx.msk $0xffff, v2  }
0x8b: {  	[hbm4b:s5+s29] =	stream.linear.scatter [tilespmem:s23], [sflag:$0x1], $0x2000, $0x38;
	[tilespmem:$0x5C00] =	vst v63  }
0x8c: {  	v4 =	vld [tilespmem:s9+$0x20];
	_ =	sdelay $0x4  }
0x8d: {  	v5 =	vshll.u32 v4, $0x3  }
0x8e: {  	v4 =	vand.u32 $0x7F, v4;
	v5 =	vand.u32 $0xFFFFFC00, v5  }
0x8f: {  	v4 =	vor.u32 v4, v5  }
0x90: {  	v4 =	vadd.s32 v1, v4;
	_ =	sdelay $0x4  }
0x91: {  	[tilespmem:v4+s24+$0x0] =	vst.idx.msk $0xffff, v2  }
0x92: {  	v4 =	vld [tilespmem:s9+$0x30];
	_ =	sdelay $0x4  }
0x93: {  	v5 =	vshll.u32 v4, $0x3  }
0x94: {  	v4 =	vand.u32 $0x7F, v4;
	v5 =	vand.u32 $0xFFFFFC00, v5  }
0x95: {  	v4 =	vor.u32 v4, v5  }
0x96: {  	v4 =	vadd.s32 v3, v4;
	_ =	sdelay $0x3  }
0x97: {  	s30 =	smov.u32 s18;
	s31 =	smov.u32 s12;
	s17 =	smov.u32 s1  }
0x98: {  	s16 =	smov.u32 s19;
	s13 =	smov.u32 s20;
	s15 =	smov.u32 s0;
	[tilespmem:v4+s24+$0x0] =	vst.idx.msk $0xffff, v2  }
0x99: {  	[hbm4b:s10+s29] =	stream.linear.scatter [tilespmem:s24], [sflag:$0x2], $0x2000, $0x38;
	[tilespmem:$0x5C00] =	vst v63  }
.LBB2_4:
0x9a: {  	s21 =	smulhi.u32 $0x51EB851F, s31;
	_ =	sdelay $0x1  }
0x9b: {  	s21 =	sshrl.u32 s21, $0x6  }
0x9c: {  	s21 =	smul.u32 $0x6400, s21;
	_ =	sdelay $0x1  }
0x9d: {  	s21 =	ssub.s32 s17, s21  }
0x9e: {  	s6 =	sadd.s32 s14, s29;
	_ =	swait.ge [sflag:s25], $0x2000;
	s21 =	sand.u32 $0x7E00, s21  }
0x9f: {  	s6 =	sand.u32 $0x40, s6;
	[sflag:s25] =	ssyncset.done $0x0;
	s21 =	sshrl.u32 s21, $0x2  }
0xa0: {  	[sflag:s25] =	ssyncadd.s32 $0xFFFFE000;
	s6 =	sor.u32 s6, s21  }
0xa1: {  	v4 =	vld [tilespmem:s6+$0x0];
	_ =	sdelay $0x4  }
0xa2: {  	v5 =	vshll.u32 v4, $0x3  }
0xa3: {  	v4 =	vand.u32 $0x7F, v4;
	v5 =	vand.u32 $0xFFFFFC00, v5  }
0xa4: {  	v4 =	vor.u32 v4, v5  }
0xa5: {  	v4 =	vadd.s32 v1, v4;
	_ =	sdelay $0x4  }
0xa6: {  	[tilespmem:v4+s23+$0x0] =	vst.idx.msk $0xffff, v0  }
0xa7: {  	v4 =	vld [tilespmem:s6+$0x10];
	_ =	sdelay $0x4  }
0xa8: {  	s5 =	smulhi.u32 $0x51EB851F, s30;
	v5 =	vshll.u32 v4, $0x3  }
0xa9: {  	v4 =	vand.u32 $0x7F, v4;
	v5 =	vand.u32 $0xFFFFFC00, v5  }
0xaa: {  	s6 =	sshrl.u32 s5, $0x6;
	v4 =	vor.u32 v4, v5  }
0xab: {  	s6 =	smul.u32 $0xC8, s6;
	v4 =	vadd.s32 v3, v4;
	_ =	sdelay $0x1  }
0xac: {  	s21 =	sadd.s32 s29, s14;
	s6 =	ssub.s32 s30, s6  }
0xad: {  	s5 =	sxor.u32 $0xFFFFFFFF, s21;
	s6 =	sshrl.u32 s6, $0x2  }
0xae: {  	s5 =	sand.u32 $0x40, s5;
	s8 =	sshll.u32 s6, $0x7  }
0xaf: {  	s8 =	sor.u32 s5, s8;
	[tilespmem:v4+s23+$0x0] =	vst.idx.msk $0xffff, v0  }
0xb0: {  	v4 =	vld [tilespmem:s8+$0x0];
	_ =	sdelay $0x4  }
0xb1: {  	v5 =	vshll.u32 v4, $0x3  }
0xb2: {  	v4 =	vand.u32 $0x7F, v4;
	v5 =	vand.u32 $0xFFFFFC00, v5  }
0xb3: {  	v4 =	vor.u32 v4, v5  }
0xb4: {  	v4 =	vadd.s32 v1, v4;
	_ =	sdelay $0x4  }
0xb5: {  	[tilespmem:v4+s23+$0x0] =	vst.idx.msk $0xffff, v2  }
0xb6: {  	v4 =	vld [tilespmem:s8+$0x10];
	_ =	sdelay $0x4  }
0xb7: {  	v5 =	vshll.u32 v4, $0x3  }
0xb8: {  	v4 =	vand.u32 $0x7F, v4;
	v5 =	vand.u32 $0xFFFFFC00, v5  }
0xb9: {  	v4 =	vor.u32 v4, v5  }
0xba: {  	s8 =	smulhi.u32 $0x51EB851F, s15;
	v4 =	vadd.s32 v3, v4;
	_ =	sdelay $0x1  }
0xbb: {  	s8 =	sshrl.u32 s8, $0x6  }
0xbc: {  	s6 =	sshll.u32 s6, $0x11;
	s5 =	sor.u32 s4, s5;
	s8 =	smul.u32 $0x6400, s8  }
0xbd: {  	s6 =	sadd.s32 s2, s6;
	s5 =	sshll.u32 s5, $0x5  }
0xbe: {  	s5 =	sadd.s32 s5, s6;
	s8 =	ssub.s32 s16, s8;
	[tilespmem:v4+s23+$0x0] =	vst.idx.msk $0xffff, v2  }
0xbf: {  	[hbm4b:s5+s3] =	stream.linear.scatter [tilespmem:s23], [sflag:$0x1], $0x2000, $0x38;
	[tilespmem:$0x5C00] =	vst v63  }
0xc0: {  	s6 =	sadd.s32 $0x20, s21;
	s8 =	sand.u32 $0x7E00, s8;
	_ =	swait.ge [sflag:s26], $0x2000  }
0xc1: {  	s5 =	sand.u32 $0x60, s6;
	s6 =	sshrl.u32 s8, $0x2;
	[sflag:s26] =	ssyncset.done $0x0  }
0xc2: {  	s5 =	sor.u32 s5, s6;
	[sflag:s26] =	ssyncadd.s32 $0xFFFFE000  }
0xc3: {  	v4 =	vld [tilespmem:s5+$0x0];
	_ =	sdelay $0x4  }
0xc4: {  	v5 =	vshll.u32 v4, $0x3  }
0xc5: {  	v4 =	vand.u32 $0x7F, v4;
	v5 =	vand.u32 $0xFFFFFC00, v5  }
0xc6: {  	v4 =	vor.u32 v4, v5  }
0xc7: {  	v4 =	vadd.s32 v1, v4;
	_ =	sdelay $0x4  }
0xc8: {  	[tilespmem:v4+s24+$0x0] =	vst.idx.msk $0xffff, v0  }
0xc9: {  	v4 =	vld [tilespmem:s5+$0x10];
	_ =	sdelay $0x4  }
0xca: {  	s6 =	smulhi.u32 $0x51EB851F, s13;
	v5 =	vshll.u32 v4, $0x3  }
0xcb: {  	v4 =	vand.u32 $0x7F, v4;
	v5 =	vand.u32 $0xFFFFFC00, v5  }
0xcc: {  	s5 =	sshrl.u32 s6, $0x6;
	v4 =	vor.u32 v4, v5  }
0xcd: {  	s5 =	smul.u32 $0xC8, s5;
	v4 =	vadd.s32 v3, v4;
	_ =	sdelay $0x1  }
0xce: {  	s5 =	ssub.s32 s13, s5  }
0xcf: {  	s8 =	sadd.s32 $0x60, s21;
	s5 =	sshrl.u32 s5, $0x2  }
0xd0: {  	s6 =	sand.u32 $0x60, s8;
	s21 =	sshll.u32 s5, $0x7  }
0xd1: {  	s8 =	sor.u32 s6, s21;
	[tilespmem:v4+s24+$0x0] =	vst.idx.msk $0xffff, v0  }
0xd2: {  	v4 =	vld [tilespmem:s8+$0x0];
	_ =	sdelay $0x4  }
0xd3: {  	v5 =	vshll.u32 v4, $0x3  }
0xd4: {  	v4 =	vand.u32 $0x7F, v4;
	v5 =	vand.u32 $0xFFFFFC00, v5  }
0xd5: {  	v4 =	vor.u32 v4, v5  }
0xd6: {  	v4 =	vadd.s32 v1, v4;
	_ =	sdelay $0x4  }
0xd7: {  	[tilespmem:v4+s24+$0x0] =	vst.idx.msk $0xffff, v2  }
0xd8: {  	v4 =	vld [tilespmem:s8+$0x10];
	_ =	sdelay $0x4  }
0xd9: {  	v5 =	vshll.u32 v4, $0x3  }
0xda: {  	v4 =	vand.u32 $0x7F, v4;
	v5 =	vand.u32 $0xFFFFFC00, v5  }
0xdb: {  	v4 =	vor.u32 v4, v5  }
0xdc: {  	v4 =	vadd.s32 v3, v4  }
0xdd: {  	p0 =	sne.s32 s29, $0x1880;
	s31 =	sadd.s32 $0x2, s31  }
.Ltmp1:
0xde: {  	s17 =	sadd.s32 $0x100, s17;
	s29 =	sadd.s32 $0x40, s29;
	(pc) =	sbr.rel @p0 .LBB2_4-.Ltmp1, $4  }
0xdf: {  	s30 =	sadd.s32 $0x2, s30;
	s5 =	sshll.u32 s5, $0x11;
	s6 =	sor.u32 s4, s6  }
0xe0: {  	s15 =	sadd.s32 $0x2, s15;
	s5 =	sadd.s32 s2, s5;
	s6 =	sshll.u32 s6, $0x5  }
0xe1: {  	s16 =	sadd.s32 $0x100, s16;
	s13 =	sadd.s32 $0x2, s13;
	s5 =	sadd.s32 s6, s5;
	[tilespmem:v4+s24+$0x0] =	vst.idx.msk $0xffff, v2  }
0xe2: {  	[hbm4b:s5+s3] =	stream.linear.scatter [tilespmem:s24], [sflag:$0x2], $0x2000, $0x38;
	[tilespmem:$0x5C00] =	vst v63  }
0xe3: {  	s28 =	sadd.s32 $0x1, s28  }
0xe4: {  	_ =	swait.ge [sflag:s25], $0x2000;
	p0 =	sne.s32 s28, s11  }
.Ltmp2:
0xe5: {  	[sflag:s25] =	ssyncset.done $0x0;
	(pc) =	sbr.rel @p0 .LBB2_1-.Ltmp2, $4  }
0xe6: {  	[sflag:s25] =	ssyncadd.s32 $0xFFFFE000  }
0xe7: {  	_ =	swait.ge [sflag:s26], $0x2000  }
0xe8: {  	[sflag:s26] =	ssyncset.done $0x0  }
0xe9: {  	[sflag:s26] =	ssyncadd.s32 $0xFFFFE000  }
0xea: {  	_ =	sfence.sel $0x180000  }
0xeb: {  	[bflag:$0x0] =	sbarrier.arrive $0xFFFF  }
0xec: {  	_ =	strace $0x90000047  }
0xed: {  	s0 =	stileid.u32;
	[bflag:$0x2] =	sbarrier.arrive $0xFFFF  }
0xee: {  	p0 =	sne.s32 s0, $0x0;
	s0 =	rddreg [dreg:$0x2]  }
0xef: {  	s0 =	sadd.s32 @!p0 $0x100000, s0  }
0xf0: {  	[sflag:s0] =	ssyncadd.tile.s32 @!p0 $0x1;
	_ =	shalt  }
.Lfunc_end2:
_tile_overlayer_lowered:
.L_overlay_start_2:
0xf1: {  	(tag) =	ssettag $0x2  }
0xf2: {  	s0 =	rddreg [dreg:$0x0];
	s2 =	stileid.u32  }
0xf3: {  	s1 =	rddreg [dreg:$0x1];
	p0 =	sne.s32 s2, $0x0  }
0xf4: {  	s3 =	rddreg [dreg:$0x2];
	[bflag:$0x3] =	sbarrier.arrive $0xFFFF;
	s2 =	simm.s32 @!p0 $0x1C03  }
0xf5: {  	[timem:s3], [sflag:s2] =	dma.local @!p0 [hbm:s0], s1  }
0xf6: {  	s0 =	simm.s32 @!p0 $0x3  }
0xf7: {  	_ =	swait.ge @!p0 [sflag:s0], s1  }
0xf8: {  	s1 =	ssub.s32 @!p0 $0x0, s1;
	[sflag:s0] =	ssyncset.done @!p0 $0x0  }
0xf9: {  	[sflag:s0] =	ssyncadd.s32 @!p0 s1  }
0xfa: {  	[bflag:$0x3] =	sbarrier.arrive $0xFFFF  }
0xfb: {  	_ =	shalt  }

</sc_bundles>
